<compile_context>
chip_gen: v7x
topology: tpu7x:2x2x1
jax: 0.10.2.dev20260603
libtpu: 0.0.44.dev20260713+nightly
codegen_flags: <defaults>
</compile_context>

<pallas_src>
import functools

import jax
import jax.numpy as jnp
from jax import lax
from jax.experimental import pallas as pl
from jax.experimental.pallas import tpu as pltpu
from jax.experimental.pallas import tpu_sc as plsc

BATCH = 16384
N_FIELDS = 100
NUM_CORES = 2
NUM_SUBCORES = 16
NUM_WORKERS = NUM_CORES * NUM_SUBCORES
ROWS_PER_WORKER = BATCH // NUM_WORKERS
ROWS_PER_CHUNK = 128
NUM_CHUNKS = ROWS_PER_WORKER // ROWS_PER_CHUNK
CHUNK_ELEMS = ROWS_PER_CHUNK * N_FIELDS
LANES = 16
GROUPS = ROWS_PER_CHUNK // LANES

EMB_PAD = 1001472
TABLE_WORDS = 1000064
TABLE_SLICE = TABLE_WORDS // NUM_SUBCORES


def _sc_body(idx_hbm, val_hbm, emb_hbm, bias_hbm, out_hbm,
             idx_v, cid_v, val_v, gat_v0, gat_v1, out_v, bias_v,
             table_s, sem_i, sem_v, sem_g0, sem_g1, sem_t):
    sid = lax.axis_index("s")
    wid = sid * NUM_CORES + lax.axis_index("c")
    rbase = wid * ROWS_PER_WORKER

    pltpu.sync_copy(bias_hbm, bias_v)
    bias_vec = bias_v[...]

    gat_b = (gat_v0, gat_v1)
    sem_g = (sem_g0, sem_g1)

    def start_idx(c):
        return pltpu.async_copy(
            idx_hbm.at[:, pl.ds(rbase + c * ROWS_PER_CHUNK, ROWS_PER_CHUNK)],
            idx_v, sem_i)

    def compact_idx():
        def rbody(r, carry):
            for o in range(0, ROWS_PER_CHUNK, LANES):
                cid_v[pl.ds(r * ROWS_PER_CHUNK + o, LANES)] = (
                    idx_v[r, pl.ds(o, LANES)])
            return carry

        lax.fori_loop(0, N_FIELDS, rbody, 0)

    def start_val(c):
        return pltpu.async_copy(
            val_hbm.at[:, pl.ds(rbase + c * ROWS_PER_CHUNK, ROWS_PER_CHUNK)],
            val_v, sem_v)

    def start_gather(c):
        return pltpu.async_copy(table_s.at[cid_v], gat_b[c & 1],
                                sem_g[c & 1])

    hg = {}

    tbase = sid * TABLE_SLICE
    pieces = [(k * CHUNK_ELEMS, CHUNK_ELEMS)
              for k in range(TABLE_SLICE // CHUNK_ELEMS)]
    tail = TABLE_SLICE % CHUNK_ELEMS
    if tail:
        pieces.append((TABLE_SLICE - tail, tail))
    hs = pltpu.async_copy(emb_hbm.at[pl.ds(tbase, pieces[0][1])],
                          gat_v0.at[pl.ds(0, pieces[0][1])], sem_t)
    hi = {0: start_idx(0)}
    hv = {}
    for k, (off, sz) in enumerate(pieces):
        buf = gat_b[k & 1]
        hs.wait()
        if k + 1 < len(pieces):
            noff, nsz = pieces[k + 1]
            hs = pltpu.async_copy(emb_hbm.at[pl.ds(tbase + noff, nsz)],
                                  gat_b[(k + 1) & 1].at[pl.ds(0, nsz)],
                                  sem_t)
        pltpu.sync_copy(buf.at[pl.ds(0, sz)],
                        table_s.at[pl.ds(tbase + off, sz)])
    hv[0] = start_val(0)
    hi[0].wait()
    compact_idx()
    hi[1] = start_idx(1)
    plsc.subcore_barrier()
    hg[0] = start_gather(0)

    for c in range(NUM_CHUNKS):
        cur = c & 1
        hg[c].wait()
        if c + 1 < NUM_CHUNKS:
            hi[c + 1].wait()
            compact_idx()
            hg[c + 1] = start_gather(c + 1)
            if c + 2 < NUM_CHUNKS:
                hi[c + 2] = start_idx(c + 2)
        hv[c].wait()
        gat, val = gat_b[cur], val_v
        for grp in range(GROUPS):
            col = grp * LANES

            def fbody(f, acc, _col=col, _gat=gat, _val=val):
                g = gat[pl.ds(f * ROWS_PER_CHUNK + _col, LANES)]
                v = _val[f, pl.ds(_col, LANES)]
                return acc + g * v

            acc = lax.fori_loop(0, N_FIELDS, fbody,
                                jnp.zeros((LANES,), jnp.float32))
            out_v[pl.ds(c * ROWS_PER_CHUNK + col, LANES)] = acc + bias_vec
        if c + 1 < NUM_CHUNKS:
            hv[c + 1] = start_val(c + 1)

    pltpu.sync_copy(out_v, out_hbm.at[pl.ds(rbase, ROWS_PER_WORKER)])


_sc_call = functools.partial(
    pl.kernel,
    out_type=jax.ShapeDtypeStruct((BATCH,), jnp.float32),
    mesh=plsc.VectorSubcoreMesh(core_axis_name="c", subcore_axis_name="s"),
    compiler_params=pltpu.CompilerParams(needs_layout_passes=False),
    scratch_types=[
        pltpu.VMEM((N_FIELDS, ROWS_PER_CHUNK), jnp.int32),
        pltpu.VMEM((CHUNK_ELEMS,), jnp.int32),
        pltpu.VMEM((N_FIELDS, ROWS_PER_CHUNK), jnp.float32),
        pltpu.VMEM((CHUNK_ELEMS,), jnp.float32),
        pltpu.VMEM((CHUNK_ELEMS,), jnp.float32),
        pltpu.VMEM((ROWS_PER_WORKER,), jnp.float32),
        pltpu.VMEM((LANES,), jnp.float32),
        pltpu.VMEM_SHARED((TABLE_WORDS,), jnp.float32),
        pltpu.SemaphoreType.DMA,
        pltpu.SemaphoreType.DMA,
        pltpu.SemaphoreType.DMA,
        pltpu.SemaphoreType.DMA,
        pltpu.SemaphoreType.DMA,
    ],
)(_sc_body)


def kernel(index, value, emb, bias):
    idx_t = index.T
    val_t = value.T
    emb1 = jnp.pad(emb.T, ((0, 0), (0, EMB_PAD - emb.shape[0]))).reshape(-1)
    bias16 = jnp.broadcast_to(bias, (LANES,))
    return _sc_call(idx_t, val_t, emb1, bias16)

# --- scband reference (transcript-rebuilt; emitter-appended) ---
"""Pipeline reference for scband-wide-64596308132178 (READ-ONLY COPY).

The authoritative reference and input builder live on the scoring server;
editing this copy changes nothing except your own understanding.
"""

import jax, jax.numpy as jnp
import numpy as np

BATCH = 16384
N_FIELDS = 100
VOCAB = 1000000  # FLAGS.feature_dict_size; table has VOCAB + 1 rows


def setup_inputs(seed: int = 0) -> dict:
    key = jax.random.key(seed)
    k1, k2, k3 = jax.random.split(key, 3)
    index = jax.random.randint(k1, (BATCH, N_FIELDS), 0, VOCAB)
    value = jax.random.uniform(k2, (BATCH, N_FIELDS), dtype=jnp.float32)
    emb = jax.random.normal(k3, (VOCAB + 1, 1), dtype=jnp.float32) * 0.01
    bias = jnp.zeros((1,), dtype=jnp.float32)
    return {"index": index, "value": value, "emb": emb, "bias": bias}


def reference(index, value, emb, bias):
    # x = self.emb(ids)  -> gather rows of the [VOCAB+1, 1] table
    x = jnp.take(emb, index, axis=0)          # [B, F, 1]
    x = jnp.squeeze(x, axis=-1)               # [B, F]
    # FLAGS.wide_addval is True: multiply by feature values
    x = x * value                             # [B, F]
    x = jnp.sum(x, axis=1)                    # [B]
    x = x + bias                              # [B] (bias broadcast)
    return x

if __name__ == "__main__":
    import jax
    _d = setup_inputs()
    print(jax.jit(kernel)(*tuple(_d.values())))

</pallas_src>

<mosaic_0001>
#map = affine_map<(d0, d1) -> (0, 0)>
#map1 = affine_map<(d0, d1) -> (0)>
module attributes {stable_mosaic.version = 14 : i64} {
  func.func @_sc_body(%arg0: i32, %arg1: i32, %arg2: memref<100x16384xi32, #tpu.memory_space<hbm>>, %arg3: memref<100x16384xf32, #tpu.memory_space<hbm>>, %arg4: memref<1001472xf32, #tpu.memory_space<hbm>>, %arg5: memref<16xf32, #tpu.memory_space<hbm>>, %arg6: memref<16384xf32, #tpu.memory_space<hbm>>, %arg7: memref<100x128xi32, #tpu.memory_space<vmem>>, %arg8: memref<12800xi32, #tpu.memory_space<vmem>>, %arg9: memref<100x128xf32, #tpu.memory_space<vmem>>, %arg10: memref<12800xf32, #tpu.memory_space<vmem>>, %arg11: memref<12800xf32, #tpu.memory_space<vmem>>, %arg12: memref<512xf32, #tpu.memory_space<vmem>>, %arg13: memref<16xf32, #tpu.memory_space<vmem>>, %arg14: memref<1000064xf32, #tpu.memory_space<vmem_shared>>, %arg15: memref<!tpu.dma_semaphore, #tpu.memory_space<semaphore_mem>>, %arg16: memref<!tpu.dma_semaphore, #tpu.memory_space<semaphore_mem>>, %arg17: memref<!tpu.dma_semaphore, #tpu.memory_space<semaphore_mem>>, %arg18: memref<!tpu.dma_semaphore, #tpu.memory_space<semaphore_mem>>, %arg19: memref<!tpu.dma_semaphore, #tpu.memory_space<semaphore_mem>>) attributes {dimension_semantics = [#tpu.dimension_semantics<core_parallel>, #tpu.dimension_semantics<subcore_parallel>], iteration_bounds = array<i64: 2, 16>, scalar_prefetch = 0 : i64, scratch_operands = 13 : i64, tpu.core_type = #tpu.core_type<sc_vector_subcore>, window_params = [{transform_indices = #map}, {transform_indices = #map}, {transform_indices = #map1}, {transform_indices = #map1}, {transform_indices = #map1}]} {
    %mul3A = arith.constant 2 : i32
    %mul3A_0 = arith.muli %arg1, %mul3A : i32
    %add3A = arith.addi %mul3A_0, %arg0 : i32
    %mul3A_1 = arith.constant 512 : i32
    %mul3A_2 = arith.muli %add3A, %mul3A_1 : i32
    "tpu.region"() ({
      %run_scoped3A = tpu.sem_alloc : memref<!tpu.dma_semaphore, #tpu.memory_space<semaphore_mem>>
      tpu.enqueue_dma source(%arg5 : memref<16xf32, #tpu.memory_space<hbm>>) target(%arg13 : memref<16xf32, #tpu.memory_space<vmem>>) target_semaphore(%run_scoped3A : memref<!tpu.dma_semaphore, #tpu.memory_space<semaphore_mem>>)
      tpu.wait_dma2 semaphore(%run_scoped3A : memref<!tpu.dma_semaphore, #tpu.memory_space<semaphore_mem>>) src(%arg5 : memref<16xf32, #tpu.memory_space<hbm>>) dst(%arg13 : memref<16xf32, #tpu.memory_space<vmem>>)
      tpu.yield
    }) : () -> ()
    %get3A = arith.constant 0 : index
    %get3A_3 = tpu.vector_load %arg13[%get3A] {strides = array<i32>} : memref<16xf32, #tpu.memory_space<vmem>>, vector<16xf32>,
    %mul3A_4 = arith.constant 62504 : i32
    %mul3A_5 = arith.muli %arg1, %mul3A_4 : i32
    %dma_start3A = arith.constant 0 : i32
    %dma_start3A_6 = tpu.memref_slice %arg10[%dma_start3A] : memref<12800xf32, #tpu.memory_space<vmem>> -> memref<12800xf32, #tpu.memory_space<vmem>>
    %dma_start3A_7 = tpu.memref_slice %arg4[%mul3A_5] : memref<1001472xf32, #tpu.memory_space<hbm>> -> memref<12800xf32, #tpu.memory_space<hbm>>
    %dma_start3A_8 = arith.constant 0 : i32
    %dma_start3A_9 = tpu.memref_slice %arg10[%dma_start3A_8] : memref<12800xf32, #tpu.memory_space<vmem>> -> memref<12800xf32, #tpu.memory_space<vmem>>
    %dma_start3A_10 = tpu.memref_slice %arg4[%mul3A_5] : memref<1001472xf32, #tpu.memory_space<hbm>> -> memref<12800xf32, #tpu.memory_space<hbm>>
    tpu.enqueue_dma source(%dma_start3A_10 : memref<12800xf32, #tpu.memory_space<hbm>>) target(%dma_start3A_9 : memref<12800xf32, #tpu.memory_space<vmem>>) target_semaphore(%arg19 : memref<!tpu.dma_semaphore, #tpu.memory_space<semaphore_mem>>)
    %add3A_11 = arith.constant 0 : i32
    %add3A_12 = arith.addi %mul3A_2, %add3A_11 : i32
    %dma_start3A_13 = arith.constant 0 : i32
    %dma_start3A_14 = tpu.memref_slice %arg2[%dma_start3A_13, %add3A_12] : memref<100x16384xi32, #tpu.memory_space<hbm>> -> memref<100x128xi32, #tpu.memory_space<hbm>>
    %dma_start3A_15 = arith.constant 0 : i32
    %dma_start3A_16 = tpu.memref_slice %arg2[%dma_start3A_15, %add3A_12] : memref<100x16384xi32, #tpu.memory_space<hbm>> -> memref<100x128xi32, #tpu.memory_space<hbm>>
    tpu.enqueue_dma source(%dma_start3A_16 : memref<100x128xi32, #tpu.memory_space<hbm>>) target(%arg7 : memref<100x128xi32, #tpu.memory_space<vmem>>) target_semaphore(%arg15 : memref<!tpu.dma_semaphore, #tpu.memory_space<semaphore_mem>>)
    %dma_wait3A = arith.constant 0 : i32
    %dma_wait3A_17 = tpu.memref_slice %arg10[%dma_wait3A] : memref<12800xf32, #tpu.memory_space<vmem>> -> memref<12800xf32, #tpu.memory_space<vmem>>
    %dma_wait3A_18 = tpu.memref_slice %arg4[%mul3A_5] : memref<1001472xf32, #tpu.memory_space<hbm>> -> memref<12800xf32, #tpu.memory_space<hbm>>
    %dma_wait3A_19 = arith.constant 0 : i32
    %dma_wait3A_20 = tpu.memref_slice %arg10[%dma_wait3A_19] : memref<12800xf32, #tpu.memory_space<vmem>> -> memref<12800xf32, #tpu.memory_space<vmem>>
    %dma_wait3A_21 = tpu.memref_slice %arg4[%mul3A_5] : memref<1001472xf32, #tpu.memory_space<hbm>> -> memref<12800xf32, #tpu.memory_space<hbm>>
    tpu.wait_dma2 semaphore(%arg19 : memref<!tpu.dma_semaphore, #tpu.memory_space<semaphore_mem>>) src(%dma_wait3A_21 : memref<12800xf32, #tpu.memory_space<hbm>>) dst(%dma_wait3A_20 : memref<12800xf32, #tpu.memory_space<vmem>>)
    %add3A_22 = arith.constant 12800 : i32
    %add3A_23 = arith.addi %mul3A_5, %add3A_22 : i32
    %dma_start3A_24 = arith.constant 0 : i32
    %dma_start3A_25 = tpu.memref_slice %arg11[%dma_start3A_24] : memref<12800xf32, #tpu.memory_space<vmem>> -> memref<12800xf32, #tpu.memory_space<vmem>>
    %dma_start3A_26 = tpu.memref_slice %arg4[%add3A_23] : memref<1001472xf32, #tpu.memory_space<hbm>> -> memref<12800xf32, #tpu.memory_space<hbm>>
    %dma_start3A_27 = arith.constant 0 : i32
    %dma_start3A_28 = tpu.memref_slice %arg11[%dma_start3A_27] : memref<12800xf32, #tpu.memory_space<vmem>> -> memref<12800xf32, #tpu.memory_space<vmem>>
    %dma_start3A_29 = tpu.memref_slice %arg4[%add3A_23] : memref<1001472xf32, #tpu.memory_space<hbm>> -> memref<12800xf32, #tpu.memory_space<hbm>>
    tpu.enqueue_dma source(%dma_start3A_29 : memref<12800xf32, #tpu.memory_space<hbm>>) target(%dma_start3A_28 : memref<12800xf32, #tpu.memory_space<vmem>>) target_semaphore(%arg19 : memref<!tpu.dma_semaphore, #tpu.memory_space<semaphore_mem>>)
    %add3A_30 = arith.constant 0 : i32
    %add3A_31 = arith.addi %mul3A_5, %add3A_30 : i32
    "tpu.region"() ({
      %run_scoped3A = tpu.sem_alloc : memref<!tpu.dma_semaphore, #tpu.memory_space<semaphore_mem>>
      %dma_start3A_551 = arith.constant 0 : i32
      %dma_start3A_552 = tpu.memref_slice %arg10[%dma_start3A_551] : memref<12800xf32, #tpu.memory_space<vmem>> -> memref<12800xf32, #tpu.memory_space<vmem>>
      %dma_start3A_553 = tpu.memref_slice %arg14[%add3A_31] : memref<1000064xf32, #tpu.memory_space<vmem_shared>> -> memref<12800xf32, #tpu.memory_space<vmem_shared>>
      %dma_start3A_554 = tpu.memref_slice %arg14[%add3A_31] : memref<1000064xf32, #tpu.memory_space<vmem_shared>> -> memref<12800xf32, #tpu.memory_space<vmem_shared>>
      %dma_start3A_555 = arith.constant 0 : i32
      %dma_start3A_556 = tpu.memref_slice %arg10[%dma_start3A_555] : memref<12800xf32, #tpu.memory_space<vmem>> -> memref<12800xf32, #tpu.memory_space<vmem>>
      tpu.enqueue_dma source(%dma_start3A_556 : memref<12800xf32, #tpu.memory_space<vmem>>) target(%dma_start3A_554 : memref<12800xf32, #tpu.memory_space<vmem_shared>>) target_semaphore(%run_scoped3A : memref<!tpu.dma_semaphore, #tpu.memory_space<semaphore_mem>>)
      %dma_wait3A_557 = arith.constant 0 : i32
      %dma_wait3A_558 = tpu.memref_slice %arg10[%dma_wait3A_557] : memref<12800xf32, #tpu.memory_space<vmem>> -> memref<12800xf32, #tpu.memory_space<vmem>>
      %dma_wait3A_559 = tpu.memref_slice %arg14[%add3A_31] : memref<1000064xf32, #tpu.memory_space<vmem_shared>> -> memref<12800xf32, #tpu.memory_space<vmem_shared>>
      %dma_wait3A_560 = tpu.memref_slice %arg14[%add3A_31] : memref<1000064xf32, #tpu.memory_space<vmem_shared>> -> memref<12800xf32, #tpu.memory_space<vmem_shared>>
      %dma_wait3A_561 = arith.constant 0 : i32
      %dma_wait3A_562 = tpu.memref_slice %arg10[%dma_wait3A_561] : memref<12800xf32, #tpu.memory_space<vmem>> -> memref<12800xf32, #tpu.memory_space<vmem>>
      tpu.wait_dma2 semaphore(%run_scoped3A : memref<!tpu.dma_semaphore, #tpu.memory_space<semaphore_mem>>) src(%dma_wait3A_562 : memref<12800xf32, #tpu.memory_space<vmem>>) dst(%dma_wait3A_560 : memref<12800xf32, #tpu.memory_space<vmem_shared>>)
      tpu.yield
    }) : () -> ()
    %dma_wait3A_32 = arith.constant 0 : i32
    %dma_wait3A_33 = tpu.memref_slice %arg11[%dma_wait3A_32] : memref<12800xf32, #tpu.memory_space<vmem>> -> memref<12800xf32, #tpu.memory_space<vmem>>
    %dma_wait3A_34 = tpu.memref_slice %arg4[%add3A_23] : memref<1001472xf32, #tpu.memory_space<hbm>> -> memref<12800xf32, #tpu.memory_space<hbm>>
    %dma_wait3A_35 = arith.constant 0 : i32
    %dma_wait3A_36 = tpu.memref_slice %arg11[%dma_wait3A_35] : memref<12800xf32, #tpu.memory_space<vmem>> -> memref<12800xf32, #tpu.memory_space<vmem>>
    %dma_wait3A_37 = tpu.memref_slice %arg4[%add3A_23] : memref<1001472xf32, #tpu.memory_space<hbm>> -> memref<12800xf32, #tpu.memory_space<hbm>>
    tpu.wait_dma2 semaphore(%arg19 : memref<!tpu.dma_semaphore, #tpu.memory_space<semaphore_mem>>) src(%dma_wait3A_37 : memref<12800xf32, #tpu.memory_space<hbm>>) dst(%dma_wait3A_36 : memref<12800xf32, #tpu.memory_space<vmem>>)
    %add3A_38 = arith.constant 25600 : i32
    %add3A_39 = arith.addi %mul3A_5, %add3A_38 : i32
    %dma_start3A_40 = arith.constant 0 : i32
    %dma_start3A_41 = tpu.memref_slice %arg10[%dma_start3A_40] : memref<12800xf32, #tpu.memory_space<vmem>> -> memref<12800xf32, #tpu.memory_space<vmem>>
    %dma_start3A_42 = tpu.memref_slice %arg4[%add3A_39] : memref<1001472xf32, #tpu.memory_space<hbm>> -> memref<12800xf32, #tpu.memory_space<hbm>>
    %dma_start3A_43 = arith.constant 0 : i32
    %dma_start3A_44 = tpu.memref_slice %arg10[%dma_start3A_43] : memref<12800xf32, #tpu.memory_space<vmem>> -> memref<12800xf32, #tpu.memory_space<vmem>>
    %dma_start3A_45 = tpu.memref_slice %arg4[%add3A_39] : memref<1001472xf32, #tpu.memory_space<hbm>> -> memref<12800xf32, #tpu.memory_space<hbm>>
    tpu.enqueue_dma source(%dma_start3A_45 : memref<12800xf32, #tpu.memory_space<hbm>>) target(%dma_start3A_44 : memref<12800xf32, #tpu.memory_space<vmem>>) target_semaphore(%arg19 : memref<!tpu.dma_semaphore, #tpu.memory_space<semaphore_mem>>)
    %add3A_46 = arith.constant 12800 : i32
    %add3A_47 = arith.addi %mul3A_5, %add3A_46 : i32
    "tpu.region"() ({
      %run_scoped3A = tpu.sem_alloc : memref<!tpu.dma_semaphore, #tpu.memory_space<semaphore_mem>>
      %dma_start3A_551 = arith.constant 0 : i32
      %dma_start3A_552 = tpu.memref_slice %arg11[%dma_start3A_551] : memref<12800xf32, #tpu.memory_space<vmem>> -> memref<12800xf32, #tpu.memory_space<vmem>>
      %dma_start3A_553 = tpu.memref_slice %arg14[%add3A_47] : memref<1000064xf32, #tpu.memory_space<vmem_shared>> -> memref<12800xf32, #tpu.memory_space<vmem_shared>>
      %dma_start3A_554 = tpu.memref_slice %arg14[%add3A_47] : memref<1000064xf32, #tpu.memory_space<vmem_shared>> -> memref<12800xf32, #tpu.memory_space<vmem_shared>>
      %dma_start3A_555 = arith.constant 0 : i32
      %dma_start3A_556 = tpu.memref_slice %arg11[%dma_start3A_555] : memref<12800xf32, #tpu.memory_space<vmem>> -> memref<12800xf32, #tpu.memory_space<vmem>>
      tpu.enqueue_dma source(%dma_start3A_556 : memref<12800xf32, #tpu.memory_space<vmem>>) target(%dma_start3A_554 : memref<12800xf32, #tpu.memory_space<vmem_shared>>) target_semaphore(%run_scoped3A : memref<!tpu.dma_semaphore, #tpu.memory_space<semaphore_mem>>)
      %dma_wait3A_557 = arith.constant 0 : i32
      %dma_wait3A_558 = tpu.memref_slice %arg11[%dma_wait3A_557] : memref<12800xf32, #tpu.memory_space<vmem>> -> memref<12800xf32, #tpu.memory_space<vmem>>
      %dma_wait3A_559 = tpu.memref_slice %arg14[%add3A_47] : memref<1000064xf32, #tpu.memory_space<vmem_shared>> -> memref<12800xf32, #tpu.memory_space<vmem_shared>>
      %dma_wait3A_560 = tpu.memref_slice %arg14[%add3A_47] : memref<1000064xf32, #tpu.memory_space<vmem_shared>> -> memref<12800xf32, #tpu.memory_space<vmem_shared>>
      %dma_wait3A_561 = arith.constant 0 : i32
      %dma_wait3A_562 = tpu.memref_slice %arg11[%dma_wait3A_561] : memref<12800xf32, #tpu.memory_space<vmem>> -> memref<12800xf32, #tpu.memory_space<vmem>>
      tpu.wait_dma2 semaphore(%run_scoped3A : memref<!tpu.dma_semaphore, #tpu.memory_space<semaphore_mem>>) src(%dma_wait3A_562 : memref<12800xf32, #tpu.memory_space<vmem>>) dst(%dma_wait3A_560 : memref<12800xf32, #tpu.memory_space<vmem_shared>>)
      tpu.yield
    }) : () -> ()
    %dma_wait3A_48 = arith.constant 0 : i32
    %dma_wait3A_49 = tpu.memref_slice %arg10[%dma_wait3A_48] : memref<12800xf32, #tpu.memory_space<vmem>> -> memref<12800xf32, #tpu.memory_space<vmem>>
    %dma_wait3A_50 = tpu.memref_slice %arg4[%add3A_39] : memref<1001472xf32, #tpu.memory_space<hbm>> -> memref<12800xf32, #tpu.memory_space<hbm>>
    %dma_wait3A_51 = arith.constant 0 : i32
    %dma_wait3A_52 = tpu.memref_slice %arg10[%dma_wait3A_51] : memref<12800xf32, #tpu.memory_space<vmem>> -> memref<12800xf32, #tpu.memory_space<vmem>>
    %dma_wait3A_53 = tpu.memref_slice %arg4[%add3A_39] : memref<1001472xf32, #tpu.memory_space<hbm>> -> memref<12800xf32, #tpu.memory_space<hbm>>
    tpu.wait_dma2 semaphore(%arg19 : memref<!tpu.dma_semaphore, #tpu.memory_space<semaphore_mem>>) src(%dma_wait3A_53 : memref<12800xf32, #tpu.memory_space<hbm>>) dst(%dma_wait3A_52 : memref<12800xf32, #tpu.memory_space<vmem>>)
    %add3A_54 = arith.constant 38400 : i32
    %add3A_55 = arith.addi %mul3A_5, %add3A_54 : i32
    %dma_start3A_56 = arith.constant 0 : i32
    %dma_start3A_57 = tpu.memref_slice %arg11[%dma_start3A_56] : memref<12800xf32, #tpu.memory_space<vmem>> -> memref<12800xf32, #tpu.memory_space<vmem>>
    %dma_start3A_58 = tpu.memref_slice %arg4[%add3A_55] : memref<1001472xf32, #tpu.memory_space<hbm>> -> memref<12800xf32, #tpu.memory_space<hbm>>
    %dma_start3A_59 = arith.constant 0 : i32
    %dma_start3A_60 = tpu.memref_slice %arg11[%dma_start3A_59] : memref<12800xf32, #tpu.memory_space<vmem>> -> memref<12800xf32, #tpu.memory_space<vmem>>
    %dma_start3A_61 = tpu.memref_slice %arg4[%add3A_55] : memref<1001472xf32, #tpu.memory_space<hbm>> -> memref<12800xf32, #tpu.memory_space<hbm>>
    tpu.enqueue_dma source(%dma_start3A_61 : memref<12800xf32, #tpu.memory_space<hbm>>) target(%dma_start3A_60 : memref<12800xf32, #tpu.memory_space<vmem>>) target_semaphore(%arg19 : memref<!tpu.dma_semaphore, #tpu.memory_space<semaphore_mem>>)
    %add3A_62 = arith.constant 25600 : i32
    %add3A_63 = arith.addi %mul3A_5, %add3A_62 : i32
    "tpu.region"() ({
      %run_scoped3A = tpu.sem_alloc : memref<!tpu.dma_semaphore, #tpu.memory_space<semaphore_mem>>
      %dma_start3A_551 = arith.constant 0 : i32
      %dma_start3A_552 = tpu.memref_slice %arg10[%dma_start3A_551] : memref<12800xf32, #tpu.memory_space<vmem>> -> memref<12800xf32, #tpu.memory_space<vmem>>
      %dma_start3A_553 = tpu.memref_slice %arg14[%add3A_63] : memref<1000064xf32, #tpu.memory_space<vmem_shared>> -> memref<12800xf32, #tpu.memory_space<vmem_shared>>
      %dma_start3A_554 = tpu.memref_slice %arg14[%add3A_63] : memref<1000064xf32, #tpu.memory_space<vmem_shared>> -> memref<12800xf32, #tpu.memory_space<vmem_shared>>
      %dma_start3A_555 = arith.constant 0 : i32
      %dma_start3A_556 = tpu.memref_slice %arg10[%dma_start3A_555] : memref<12800xf32, #tpu.memory_space<vmem>> -> memref<12800xf32, #tpu.memory_space<vmem>>
      tpu.enqueue_dma source(%dma_start3A_556 : memref<12800xf32, #tpu.memory_space<vmem>>) target(%dma_start3A_554 : memref<12800xf32, #tpu.memory_space<vmem_shared>>) target_semaphore(%run_scoped3A : memref<!tpu.dma_semaphore, #tpu.memory_space<semaphore_mem>>)
      %dma_wait3A_557 = arith.constant 0 : i32
      %dma_wait3A_558 = tpu.memref_slice %arg10[%dma_wait3A_557] : memref<12800xf32, #tpu.memory_space<vmem>> -> memref<12800xf32, #tpu.memory_space<vmem>>
      %dma_wait3A_559 = tpu.memref_slice %arg14[%add3A_63] : memref<1000064xf32, #tpu.memory_space<vmem_shared>> -> memref<12800xf32, #tpu.memory_space<vmem_shared>>
      %dma_wait3A_560 = tpu.memref_slice %arg14[%add3A_63] : memref<1000064xf32, #tpu.memory_space<vmem_shared>> -> memref<12800xf32, #tpu.memory_space<vmem_shared>>
      %dma_wait3A_561 = arith.constant 0 : i32
      %dma_wait3A_562 = tpu.memref_slice %arg10[%dma_wait3A_561] : memref<12800xf32, #tpu.memory_space<vmem>> -> memref<12800xf32, #tpu.memory_space<vmem>>
      tpu.wait_dma2 semaphore(%run_scoped3A : memref<!tpu.dma_semaphore, #tpu.memory_space<semaphore_mem>>) src(%dma_wait3A_562 : memref<12800xf32, #tpu.memory_space<vmem>>) dst(%dma_wait3A_560 : memref<12800xf32, #tpu.memory_space<vmem_shared>>)
      tpu.yield
    }) : () -> ()
    %dma_wait3A_64 = arith.constant 0 : i32
    %dma_wait3A_65 = tpu.memref_slice %arg11[%dma_wait3A_64] : memref<12800xf32, #tpu.memory_space<vmem>> -> memref<12800xf32, #tpu.memory_space<vmem>>
    %dma_wait3A_66 = tpu.memref_slice %arg4[%add3A_55] : memref<1001472xf32, #tpu.memory_space<hbm>> -> memref<12800xf32, #tpu.memory_space<hbm>>
    %dma_wait3A_67 = arith.constant 0 : i32
    %dma_wait3A_68 = tpu.memref_slice %arg11[%dma_wait3A_67] : memref<12800xf32, #tpu.memory_space<vmem>> -> memref<12800xf32, #tpu.memory_space<vmem>>
    %dma_wait3A_69 = tpu.memref_slice %arg4[%add3A_55] : memref<1001472xf32, #tpu.memory_space<hbm>> -> memref<12800xf32, #tpu.memory_space<hbm>>
    tpu.wait_dma2 semaphore(%arg19 : memref<!tpu.dma_semaphore, #tpu.memory_space<semaphore_mem>>) src(%dma_wait3A_69 : memref<12800xf32, #tpu.memory_space<hbm>>) dst(%dma_wait3A_68 : memref<12800xf32, #tpu.memory_space<vmem>>)
    %add3A_70 = arith.constant 51200 : i32
    %add3A_71 = arith.addi %mul3A_5, %add3A_70 : i32
    %dma_start3A_72 = arith.constant 0 : i32
    %dma_start3A_73 = tpu.memref_slice %arg10[%dma_start3A_72] : memref<12800xf32, #tpu.memory_space<vmem>> -> memref<11304xf32, #tpu.memory_space<vmem>>
    %dma_start3A_74 = tpu.memref_slice %arg4[%add3A_71] : memref<1001472xf32, #tpu.memory_space<hbm>> -> memref<11304xf32, #tpu.memory_space<hbm>>
    %dma_start3A_75 = arith.constant 0 : i32
    %dma_start3A_76 = tpu.memref_slice %arg10[%dma_start3A_75] : memref<12800xf32, #tpu.memory_space<vmem>> -> memref<11304xf32, #tpu.memory_space<vmem>>
    %dma_start3A_77 = tpu.memref_slice %arg4[%add3A_71] : memref<1001472xf32, #tpu.memory_space<hbm>> -> memref<11304xf32, #tpu.memory_space<hbm>>
    tpu.enqueue_dma source(%dma_start3A_77 : memref<11304xf32, #tpu.memory_space<hbm>>) target(%dma_start3A_76 : memref<11304xf32, #tpu.memory_space<vmem>>) target_semaphore(%arg19 : memref<!tpu.dma_semaphore, #tpu.memory_space<semaphore_mem>>)
    %add3A_78 = arith.constant 38400 : i32
    %add3A_79 = arith.addi %mul3A_5, %add3A_78 : i32
    "tpu.region"() ({
      %run_scoped3A = tpu.sem_alloc : memref<!tpu.dma_semaphore, #tpu.memory_space<semaphore_mem>>
      %dma_start3A_551 = arith.constant 0 : i32
      %dma_start3A_552 = tpu.memref_slice %arg11[%dma_start3A_551] : memref<12800xf32, #tpu.memory_space<vmem>> -> memref<12800xf32, #tpu.memory_space<vmem>>
      %dma_start3A_553 = tpu.memref_slice %arg14[%add3A_79] : memref<1000064xf32, #tpu.memory_space<vmem_shared>> -> memref<12800xf32, #tpu.memory_space<vmem_shared>>
      %dma_start3A_554 = tpu.memref_slice %arg14[%add3A_79] : memref<1000064xf32, #tpu.memory_space<vmem_shared>> -> memref<12800xf32, #tpu.memory_space<vmem_shared>>
      %dma_start3A_555 = arith.constant 0 : i32
      %dma_start3A_556 = tpu.memref_slice %arg11[%dma_start3A_555] : memref<12800xf32, #tpu.memory_space<vmem>> -> memref<12800xf32, #tpu.memory_space<vmem>>
      tpu.enqueue_dma source(%dma_start3A_556 : memref<12800xf32, #tpu.memory_space<vmem>>) target(%dma_start3A_554 : memref<12800xf32, #tpu.memory_space<vmem_shared>>) target_semaphore(%run_scoped3A : memref<!tpu.dma_semaphore, #tpu.memory_space<semaphore_mem>>)
      %dma_wait3A_557 = arith.constant 0 : i32
      %dma_wait3A_558 = tpu.memref_slice %arg11[%dma_wait3A_557] : memref<12800xf32, #tpu.memory_space<vmem>> -> memref<12800xf32, #tpu.memory_space<vmem>>
      %dma_wait3A_559 = tpu.memref_slice %arg14[%add3A_79] : memref<1000064xf32, #tpu.memory_space<vmem_shared>> -> memref<12800xf32, #tpu.memory_space<vmem_shared>>
      %dma_wait3A_560 = tpu.memref_slice %arg14[%add3A_79] : memref<1000064xf32, #tpu.memory_space<vmem_shared>> -> memref<12800xf32, #tpu.memory_space<vmem_shared>>
      %dma_wait3A_561 = arith.constant 0 : i32
      %dma_wait3A_562 = tpu.memref_slice %arg11[%dma_wait3A_561] : memref<12800xf32, #tpu.memory_space<vmem>> -> memref<12800xf32, #tpu.memory_space<vmem>>
      tpu.wait_dma2 semaphore(%run_scoped3A : memref<!tpu.dma_semaphore, #tpu.memory_space<semaphore_mem>>) src(%dma_wait3A_562 : memref<12800xf32, #tpu.memory_space<vmem>>) dst(%dma_wait3A_560 : memref<12800xf32, #tpu.memory_space<vmem_shared>>)
      tpu.yield
    }) : () -> ()
    %dma_wait3A_80 = arith.constant 0 : i32
    %dma_wait3A_81 = tpu.memref_slice %arg10[%dma_wait3A_80] : memref<12800xf32, #tpu.memory_space<vmem>> -> memref<11304xf32, #tpu.memory_space<vmem>>
    %dma_wait3A_82 = tpu.memref_slice %arg4[%add3A_71] : memref<1001472xf32, #tpu.memory_space<hbm>> -> memref<11304xf32, #tpu.memory_space<hbm>>
    %dma_wait3A_83 = arith.constant 0 : i32
    %dma_wait3A_84 = tpu.memref_slice %arg10[%dma_wait3A_83] : memref<12800xf32, #tpu.memory_space<vmem>> -> memref<11304xf32, #tpu.memory_space<vmem>>
    %dma_wait3A_85 = tpu.memref_slice %arg4[%add3A_71] : memref<1001472xf32, #tpu.memory_space<hbm>> -> memref<11304xf32, #tpu.memory_space<hbm>>
    tpu.wait_dma2 semaphore(%arg19 : memref<!tpu.dma_semaphore, #tpu.memory_space<semaphore_mem>>) src(%dma_wait3A_85 : memref<11304xf32, #tpu.memory_space<hbm>>) dst(%dma_wait3A_84 : memref<11304xf32, #tpu.memory_space<vmem>>)
    %add3A_86 = arith.constant 51200 : i32
    %add3A_87 = arith.addi %mul3A_5, %add3A_86 : i32
    "tpu.region"() ({
      %run_scoped3A = tpu.sem_alloc : memref<!tpu.dma_semaphore, #tpu.memory_space<semaphore_mem>>
      %dma_start3A_551 = arith.constant 0 : i32
      %dma_start3A_552 = tpu.memref_slice %arg10[%dma_start3A_551] : memref<12800xf32, #tpu.memory_space<vmem>> -> memref<11304xf32, #tpu.memory_space<vmem>>
      %dma_start3A_553 = tpu.memref_slice %arg14[%add3A_87] : memref<1000064xf32, #tpu.memory_space<vmem_shared>> -> memref<11304xf32, #tpu.memory_space<vmem_shared>>
      %dma_start3A_554 = tpu.memref_slice %arg14[%add3A_87] : memref<1000064xf32, #tpu.memory_space<vmem_shared>> -> memref<11304xf32, #tpu.memory_space<vmem_shared>>
      %dma_start3A_555 = arith.constant 0 : i32
      %dma_start3A_556 = tpu.memref_slice %arg10[%dma_start3A_555] : memref<12800xf32, #tpu.memory_space<vmem>> -> memref<11304xf32, #tpu.memory_space<vmem>>
      tpu.enqueue_dma source(%dma_start3A_556 : memref<11304xf32, #tpu.memory_space<vmem>>) target(%dma_start3A_554 : memref<11304xf32, #tpu.memory_space<vmem_shared>>) target_semaphore(%run_scoped3A : memref<!tpu.dma_semaphore, #tpu.memory_space<semaphore_mem>>)
      %dma_wait3A_557 = arith.constant 0 : i32
      %dma_wait3A_558 = tpu.memref_slice %arg10[%dma_wait3A_557] : memref<12800xf32, #tpu.memory_space<vmem>> -> memref<11304xf32, #tpu.memory_space<vmem>>
      %dma_wait3A_559 = tpu.memref_slice %arg14[%add3A_87] : memref<1000064xf32, #tpu.memory_space<vmem_shared>> -> memref<11304xf32, #tpu.memory_space<vmem_shared>>
      %dma_wait3A_560 = tpu.memref_slice %arg14[%add3A_87] : memref<1000064xf32, #tpu.memory_space<vmem_shared>> -> memref<11304xf32, #tpu.memory_space<vmem_shared>>
      %dma_wait3A_561 = arith.constant 0 : i32
      %dma_wait3A_562 = tpu.memref_slice %arg10[%dma_wait3A_561] : memref<12800xf32, #tpu.memory_space<vmem>> -> memref<11304xf32, #tpu.memory_space<vmem>>
      tpu.wait_dma2 semaphore(%run_scoped3A : memref<!tpu.dma_semaphore, #tpu.memory_space<semaphore_mem>>) src(%dma_wait3A_562 : memref<11304xf32, #tpu.memory_space<vmem>>) dst(%dma_wait3A_560 : memref<11304xf32, #tpu.memory_space<vmem_shared>>)
      tpu.yield
    }) : () -> ()
    %add3A_88 = arith.constant 0 : i32
    %add3A_89 = arith.addi %mul3A_2, %add3A_88 : i32
    %dma_start3A_90 = arith.constant 0 : i32
    %dma_start3A_91 = tpu.memref_slice %arg3[%dma_start3A_90, %add3A_89] : memref<100x16384xf32, #tpu.memory_space<hbm>> -> memref<100x128xf32, #tpu.memory_space<hbm>>
    %dma_start3A_92 = arith.constant 0 : i32
    %dma_start3A_93 = tpu.memref_slice %arg3[%dma_start3A_92, %add3A_89] : memref<100x16384xf32, #tpu.memory_space<hbm>> -> memref<100x128xf32, #tpu.memory_space<hbm>>
    tpu.enqueue_dma source(%dma_start3A_93 : memref<100x128xf32, #tpu.memory_space<hbm>>) target(%arg9 : memref<100x128xf32, #tpu.memory_space<vmem>>) target_semaphore(%arg16 : memref<!tpu.dma_semaphore, #tpu.memory_space<semaphore_mem>>)
    %dma_wait3A_94 = arith.constant 0 : i32
    %dma_wait3A_95 = tpu.memref_slice %arg2[%dma_wait3A_94, %add3A_12] : memref<100x16384xi32, #tpu.memory_space<hbm>> -> memref<100x128xi32, #tpu.memory_space<hbm>>
    %dma_wait3A_96 = arith.constant 0 : i32
    %dma_wait3A_97 = tpu.memref_slice %arg2[%dma_wait3A_96, %add3A_12] : memref<100x16384xi32, #tpu.memory_space<hbm>> -> memref<100x128xi32, #tpu.memory_space<hbm>>
    tpu.wait_dma2 semaphore(%arg15 : memref<!tpu.dma_semaphore, #tpu.memory_space<semaphore_mem>>) src(%dma_wait3A_97 : memref<100x128xi32, #tpu.memory_space<hbm>>) dst(%arg7 : memref<100x128xi32, #tpu.memory_space<vmem>>)
    %scan3A = arith.constant 0 : i32
    %scan3A_98 = arith.constant 0 : i32
    %scan3A_99 = arith.constant 100 : i32
    %scan3A_100 = arith.addi %scan3A_98, %scan3A_99 : i32
    %scan3A_101 = arith.constant 1 : i32
    scf.for %scan3A_551 = %scan3A_98 to %scan3A_100 step %scan3A_101  : i32 {
      %get3A_552 = arith.index_cast %scan3A_551 : i32 to index
      %get3A_553 = arith.constant 0 : index
      %get3A_554 = tpu.vector_load %arg7[%get3A_552, %get3A_553] {strides = array<i32>} : memref<100x128xi32, #tpu.memory_space<vmem>>, vector<16xi32>,
      %mul3A_555 = arith.constant 128 : i32
      %mul3A_556 = arith.muli %scan3A_551, %mul3A_555 : i32
      %add3A_557 = arith.constant 0 : i32
      %add3A_558 = arith.addi %mul3A_556, %add3A_557 : i32
      %swap3A_559 = arith.index_cast %add3A_558 : i32 to index
      %swap3A_560 = tpu.vector_load %arg8[%swap3A_559] {strides = array<i32>} : memref<12800xi32, #tpu.memory_space<vmem>>, vector<16xi32>,
      tpu.vector_store %arg8[%swap3A_559], %get3A_554 {strides = array<i32>} : memref<12800xi32, #tpu.memory_space<vmem>>, vector<16xi32>,
      %get3A_561 = arith.index_cast %scan3A_551 : i32 to index
      %get3A_562 = arith.constant 16 : index
      %get3A_563 = tpu.vector_load %arg7[%get3A_561, %get3A_562] {strides = array<i32>} : memref<100x128xi32, #tpu.memory_space<vmem>>, vector<16xi32>,
      %mul3A_564 = arith.constant 128 : i32
      %mul3A_565 = arith.muli %scan3A_551, %mul3A_564 : i32
      %add3A_566 = arith.constant 16 : i32
      %add3A_567 = arith.addi %mul3A_565, %add3A_566 : i32
      %swap3A_568 = arith.index_cast %add3A_567 : i32 to index
      %swap3A_569 = tpu.vector_load %arg8[%swap3A_568] {strides = array<i32>} : memref<12800xi32, #tpu.memory_space<vmem>>, vector<16xi32>,
      tpu.vector_store %arg8[%swap3A_568], %get3A_563 {strides = array<i32>} : memref<12800xi32, #tpu.memory_space<vmem>>, vector<16xi32>,
      %get3A_570 = arith.index_cast %scan3A_551 : i32 to index
      %get3A_571 = arith.constant 32 : index
      %get3A_572 = tpu.vector_load %arg7[%get3A_570, %get3A_571] {strides = array<i32>} : memref<100x128xi32, #tpu.memory_space<vmem>>, vector<16xi32>,
      %mul3A_573 = arith.constant 128 : i32
      %mul3A_574 = arith.muli %scan3A_551, %mul3A_573 : i32
      %add3A_575 = arith.constant 32 : i32
      %add3A_576 = arith.addi %mul3A_574, %add3A_575 : i32
      %swap3A_577 = arith.index_cast %add3A_576 : i32 to index
      %swap3A_578 = tpu.vector_load %arg8[%swap3A_577] {strides = array<i32>} : memref<12800xi32, #tpu.memory_space<vmem>>, vector<16xi32>,
      tpu.vector_store %arg8[%swap3A_577], %get3A_572 {strides = array<i32>} : memref<12800xi32, #tpu.memory_space<vmem>>, vector<16xi32>,
      %get3A_579 = arith.index_cast %scan3A_551 : i32 to index
      %get3A_580 = arith.constant 48 : index
      %get3A_581 = tpu.vector_load %arg7[%get3A_579, %get3A_580] {strides = array<i32>} : memref<100x128xi32, #tpu.memory_space<vmem>>, vector<16xi32>,
      %mul3A_582 = arith.constant 128 : i32
      %mul3A_583 = arith.muli %scan3A_551, %mul3A_582 : i32
      %add3A_584 = arith.constant 48 : i32
      %add3A_585 = arith.addi %mul3A_583, %add3A_584 : i32
      %swap3A_586 = arith.index_cast %add3A_585 : i32 to index
      %swap3A_587 = tpu.vector_load %arg8[%swap3A_586] {strides = array<i32>} : memref<12800xi32, #tpu.memory_space<vmem>>, vector<16xi32>,
      tpu.vector_store %arg8[%swap3A_586], %get3A_581 {strides = array<i32>} : memref<12800xi32, #tpu.memory_space<vmem>>, vector<16xi32>,
      %get3A_588 = arith.index_cast %scan3A_551 : i32 to index
      %get3A_589 = arith.constant 64 : index
      %get3A_590 = tpu.vector_load %arg7[%get3A_588, %get3A_589] {strides = array<i32>} : memref<100x128xi32, #tpu.memory_space<vmem>>, vector<16xi32>,
      %mul3A_591 = arith.constant 128 : i32
      %mul3A_592 = arith.muli %scan3A_551, %mul3A_591 : i32
      %add3A_593 = arith.constant 64 : i32
      %add3A_594 = arith.addi %mul3A_592, %add3A_593 : i32
      %swap3A_595 = arith.index_cast %add3A_594 : i32 to index
      %swap3A_596 = tpu.vector_load %arg8[%swap3A_595] {strides = array<i32>} : memref<12800xi32, #tpu.memory_space<vmem>>, vector<16xi32>,
      tpu.vector_store %arg8[%swap3A_595], %get3A_590 {strides = array<i32>} : memref<12800xi32, #tpu.memory_space<vmem>>, vector<16xi32>,
      %get3A_597 = arith.index_cast %scan3A_551 : i32 to index
      %get3A_598 = arith.constant 80 : index
      %get3A_599 = tpu.vector_load %arg7[%get3A_597, %get3A_598] {strides = array<i32>} : memref<100x128xi32, #tpu.memory_space<vmem>>, vector<16xi32>,
      %mul3A_600 = arith.constant 128 : i32
      %mul3A_601 = arith.muli %scan3A_551, %mul3A_600 : i32
      %add3A_602 = arith.constant 80 : i32
      %add3A_603 = arith.addi %mul3A_601, %add3A_602 : i32
      %swap3A_604 = arith.index_cast %add3A_603 : i32 to index
      %swap3A_605 = tpu.vector_load %arg8[%swap3A_604] {strides = array<i32>} : memref<12800xi32, #tpu.memory_space<vmem>>, vector<16xi32>,
      tpu.vector_store %arg8[%swap3A_604], %get3A_599 {strides = array<i32>} : memref<12800xi32, #tpu.memory_space<vmem>>, vector<16xi32>,
      %get3A_606 = arith.index_cast %scan3A_551 : i32 to index
      %get3A_607 = arith.constant 96 : index
      %get3A_608 = tpu.vector_load %arg7[%get3A_606, %get3A_607] {strides = array<i32>} : memref<100x128xi32, #tpu.memory_space<vmem>>, vector<16xi32>,
      %mul3A_609 = arith.constant 128 : i32
      %mul3A_610 = arith.muli %scan3A_551, %mul3A_609 : i32
      %add3A_611 = arith.constant 96 : i32
      %add3A_612 = arith.addi %mul3A_610, %add3A_611 : i32
      %swap3A_613 = arith.index_cast %add3A_612 : i32 to index
      %swap3A_614 = tpu.vector_load %arg8[%swap3A_613] {strides = array<i32>} : memref<12800xi32, #tpu.memory_space<vmem>>, vector<16xi32>,
      tpu.vector_store %arg8[%swap3A_613], %get3A_608 {strides = array<i32>} : memref<12800xi32, #tpu.memory_space<vmem>>, vector<16xi32>,
      %get3A_615 = arith.index_cast %scan3A_551 : i32 to index
      %get3A_616 = arith.constant 112 : index
      %get3A_617 = tpu.vector_load %arg7[%get3A_615, %get3A_616] {strides = array<i32>} : memref<100x128xi32, #tpu.memory_space<vmem>>, vector<16xi32>,
      %mul3A_618 = arith.constant 128 : i32
      %mul3A_619 = arith.muli %scan3A_551, %mul3A_618 : i32
      %add3A_620 = arith.constant 112 : i32
      %add3A_621 = arith.addi %mul3A_619, %add3A_620 : i32
      %swap3A_622 = arith.index_cast %add3A_621 : i32 to index
      %swap3A_623 = tpu.vector_load %arg8[%swap3A_622] {strides = array<i32>} : memref<12800xi32, #tpu.memory_space<vmem>>, vector<16xi32>,
      tpu.vector_store %arg8[%swap3A_622], %get3A_617 {strides = array<i32>} : memref<12800xi32, #tpu.memory_space<vmem>>, vector<16xi32>,
    }
    %scan3A_102 = arith.constant 100 : i32
    %add3A_103 = arith.constant 128 : i32
    %add3A_104 = arith.addi %mul3A_2, %add3A_103 : i32
    %dma_start3A_105 = arith.constant 0 : i32
    %dma_start3A_106 = tpu.memref_slice %arg2[%dma_start3A_105, %add3A_104] : memref<100x16384xi32, #tpu.memory_space<hbm>> -> memref<100x128xi32, #tpu.memory_space<hbm>>
    %dma_start3A_107 = arith.constant 0 : i32
    %dma_start3A_108 = tpu.memref_slice %arg2[%dma_start3A_107, %add3A_104] : memref<100x16384xi32, #tpu.memory_space<hbm>> -> memref<100x128xi32, #tpu.memory_space<hbm>>
    tpu.enqueue_dma source(%dma_start3A_108 : memref<100x128xi32, #tpu.memory_space<hbm>>) target(%arg7 : memref<100x128xi32, #tpu.memory_space<vmem>>) target_semaphore(%arg15 : memref<!tpu.dma_semaphore, #tpu.memory_space<semaphore_mem>>)
    %barrier3A = arith.constant 0 : index
    tpu.barrier barrier_id(%barrier3A)
    %dma_start3A_109 = arith.constant 0 : i32
    %dma_start3A_110 = tpu.memref_slice %arg14[%dma_start3A_109] : memref<1000064xf32, #tpu.memory_space<vmem_shared>> -> memref<1000064xf32, #tpu.memory_space<vmem_shared>>
    tpu.enqueue_indirect_dma source(%dma_start3A_110 : memref<1000064xf32, #tpu.memory_space<vmem_shared>>) target(%arg10 : memref<12800xf32, #tpu.memory_space<vmem>>) offsets(%arg8 : memref<12800xi32, #tpu.memory_space<vmem>>) semaphore(%arg17 : memref<!tpu.dma_semaphore, #tpu.memory_space<semaphore_mem>>)
    %dma_wait3A_111 = arith.constant 0 : i32
    %dma_wait3A_112 = tpu.memref_slice %arg14[%dma_wait3A_111] : memref<1000064xf32, #tpu.memory_space<vmem_shared>> -> memref<1000064xf32, #tpu.memory_space<vmem_shared>>
    tpu.wait_indirect_dma semaphore(%arg17 : memref<!tpu.dma_semaphore, #tpu.memory_space<semaphore_mem>>) src(%dma_wait3A_112 : memref<1000064xf32, #tpu.memory_space<vmem_shared>>) dst(%arg10 : memref<12800xf32, #tpu.memory_space<vmem>>)
    %dma_wait3A_113 = arith.constant 0 : i32
    %dma_wait3A_114 = tpu.memref_slice %arg2[%dma_wait3A_113, %add3A_104] : memref<100x16384xi32, #tpu.memory_space<hbm>> -> memref<100x128xi32, #tpu.memory_space<hbm>>
    %dma_wait3A_115 = arith.constant 0 : i32
    %dma_wait3A_116 = tpu.memref_slice %arg2[%dma_wait3A_115, %add3A_104] : memref<100x16384xi32, #tpu.memory_space<hbm>> -> memref<100x128xi32, #tpu.memory_space<hbm>>
    tpu.wait_dma2 semaphore(%arg15 : memref<!tpu.dma_semaphore, #tpu.memory_space<semaphore_mem>>) src(%dma_wait3A_116 : memref<100x128xi32, #tpu.memory_space<hbm>>) dst(%arg7 : memref<100x128xi32, #tpu.memory_space<vmem>>)
    %scan3A_117 = arith.constant 0 : i32
    %scan3A_118 = arith.constant 0 : i32
    %scan3A_119 = arith.constant 100 : i32
    %scan3A_120 = arith.addi %scan3A_118, %scan3A_119 : i32
    %scan3A_121 = arith.constant 1 : i32
    scf.for %scan3A_551 = %scan3A_118 to %scan3A_120 step %scan3A_121  : i32 {
      %get3A_552 = arith.index_cast %scan3A_551 : i32 to index
      %get3A_553 = arith.constant 0 : index
      %get3A_554 = tpu.vector_load %arg7[%get3A_552, %get3A_553] {strides = array<i32>} : memref<100x128xi32, #tpu.memory_space<vmem>>, vector<16xi32>,
      %mul3A_555 = arith.constant 128 : i32
      %mul3A_556 = arith.muli %scan3A_551, %mul3A_555 : i32
      %add3A_557 = arith.constant 0 : i32
      %add3A_558 = arith.addi %mul3A_556, %add3A_557 : i32
      %swap3A_559 = arith.index_cast %add3A_558 : i32 to index
      %swap3A_560 = tpu.vector_load %arg8[%swap3A_559] {strides = array<i32>} : memref<12800xi32, #tpu.memory_space<vmem>>, vector<16xi32>,
      tpu.vector_store %arg8[%swap3A_559], %get3A_554 {strides = array<i32>} : memref<12800xi32, #tpu.memory_space<vmem>>, vector<16xi32>,
      %get3A_561 = arith.index_cast %scan3A_551 : i32 to index
      %get3A_562 = arith.constant 16 : index
      %get3A_563 = tpu.vector_load %arg7[%get3A_561, %get3A_562] {strides = array<i32>} : memref<100x128xi32, #tpu.memory_space<vmem>>, vector<16xi32>,
      %mul3A_564 = arith.constant 128 : i32
      %mul3A_565 = arith.muli %scan3A_551, %mul3A_564 : i32
      %add3A_566 = arith.constant 16 : i32
      %add3A_567 = arith.addi %mul3A_565, %add3A_566 : i32
      %swap3A_568 = arith.index_cast %add3A_567 : i32 to index
      %swap3A_569 = tpu.vector_load %arg8[%swap3A_568] {strides = array<i32>} : memref<12800xi32, #tpu.memory_space<vmem>>, vector<16xi32>,
      tpu.vector_store %arg8[%swap3A_568], %get3A_563 {strides = array<i32>} : memref<12800xi32, #tpu.memory_space<vmem>>, vector<16xi32>,
      %get3A_570 = arith.index_cast %scan3A_551 : i32 to index
      %get3A_571 = arith.constant 32 : index
      %get3A_572 = tpu.vector_load %arg7[%get3A_570, %get3A_571] {strides = array<i32>} : memref<100x128xi32, #tpu.memory_space<vmem>>, vector<16xi32>,
      %mul3A_573 = arith.constant 128 : i32
      %mul3A_574 = arith.muli %scan3A_551, %mul3A_573 : i32
      %add3A_575 = arith.constant 32 : i32
      %add3A_576 = arith.addi %mul3A_574, %add3A_575 : i32
      %swap3A_577 = arith.index_cast %add3A_576 : i32 to index
      %swap3A_578 = tpu.vector_load %arg8[%swap3A_577] {strides = array<i32>} : memref<12800xi32, #tpu.memory_space<vmem>>, vector<16xi32>,
      tpu.vector_store %arg8[%swap3A_577], %get3A_572 {strides = array<i32>} : memref<12800xi32, #tpu.memory_space<vmem>>, vector<16xi32>,
      %get3A_579 = arith.index_cast %scan3A_551 : i32 to index
      %get3A_580 = arith.constant 48 : index
      %get3A_581 = tpu.vector_load %arg7[%get3A_579, %get3A_580] {strides = array<i32>} : memref<100x128xi32, #tpu.memory_space<vmem>>, vector<16xi32>,
      %mul3A_582 = arith.constant 128 : i32
      %mul3A_583 = arith.muli %scan3A_551, %mul3A_582 : i32
      %add3A_584 = arith.constant 48 : i32
      %add3A_585 = arith.addi %mul3A_583, %add3A_584 : i32
      %swap3A_586 = arith.index_cast %add3A_585 : i32 to index
      %swap3A_587 = tpu.vector_load %arg8[%swap3A_586] {strides = array<i32>} : memref<12800xi32, #tpu.memory_space<vmem>>, vector<16xi32>,
      tpu.vector_store %arg8[%swap3A_586], %get3A_581 {strides = array<i32>} : memref<12800xi32, #tpu.memory_space<vmem>>, vector<16xi32>,
      %get3A_588 = arith.index_cast %scan3A_551 : i32 to index
      %get3A_589 = arith.constant 64 : index
      %get3A_590 = tpu.vector_load %arg7[%get3A_588, %get3A_589] {strides = array<i32>} : memref<100x128xi32, #tpu.memory_space<vmem>>, vector<16xi32>,
      %mul3A_591 = arith.constant 128 : i32
      %mul3A_592 = arith.muli %scan3A_551, %mul3A_591 : i32
      %add3A_593 = arith.constant 64 : i32
      %add3A_594 = arith.addi %mul3A_592, %add3A_593 : i32
      %swap3A_595 = arith.index_cast %add3A_594 : i32 to index
      %swap3A_596 = tpu.vector_load %arg8[%swap3A_595] {strides = array<i32>} : memref<12800xi32, #tpu.memory_space<vmem>>, vector<16xi32>,
      tpu.vector_store %arg8[%swap3A_595], %get3A_590 {strides = array<i32>} : memref<12800xi32, #tpu.memory_space<vmem>>, vector<16xi32>,
      %get3A_597 = arith.index_cast %scan3A_551 : i32 to index
      %get3A_598 = arith.constant 80 : index
      %get3A_599 = tpu.vector_load %arg7[%get3A_597, %get3A_598] {strides = array<i32>} : memref<100x128xi32, #tpu.memory_space<vmem>>, vector<16xi32>,
      %mul3A_600 = arith.constant 128 : i32
      %mul3A_601 = arith.muli %scan3A_551, %mul3A_600 : i32
      %add3A_602 = arith.constant 80 : i32
      %add3A_603 = arith.addi %mul3A_601, %add3A_602 : i32
      %swap3A_604 = arith.index_cast %add3A_603 : i32 to index
      %swap3A_605 = tpu.vector_load %arg8[%swap3A_604] {strides = array<i32>} : memref<12800xi32, #tpu.memory_space<vmem>>, vector<16xi32>,
      tpu.vector_store %arg8[%swap3A_604], %get3A_599 {strides = array<i32>} : memref<12800xi32, #tpu.memory_space<vmem>>, vector<16xi32>,
      %get3A_606 = arith.index_cast %scan3A_551 : i32 to index
      %get3A_607 = arith.constant 96 : index
      %get3A_608 = tpu.vector_load %arg7[%get3A_606, %get3A_607] {strides = array<i32>} : memref<100x128xi32, #tpu.memory_space<vmem>>, vector<16xi32>,
      %mul3A_609 = arith.constant 128 : i32
      %mul3A_610 = arith.muli %scan3A_551, %mul3A_609 : i32
      %add3A_611 = arith.constant 96 : i32
      %add3A_612 = arith.addi %mul3A_610, %add3A_611 : i32
      %swap3A_613 = arith.index_cast %add3A_612 : i32 to index
      %swap3A_614 = tpu.vector_load %arg8[%swap3A_613] {strides = array<i32>} : memref<12800xi32, #tpu.memory_space<vmem>>, vector<16xi32>,
      tpu.vector_store %arg8[%swap3A_613], %get3A_608 {strides = array<i32>} : memref<12800xi32, #tpu.memory_space<vmem>>, vector<16xi32>,
      %get3A_615 = arith.index_cast %scan3A_551 : i32 to index
      %get3A_616 = arith.constant 112 : index
      %get3A_617 = tpu.vector_load %arg7[%get3A_615, %get3A_616] {strides = array<i32>} : memref<100x128xi32, #tpu.memory_space<vmem>>, vector<16xi32>,
      %mul3A_618 = arith.constant 128 : i32
      %mul3A_619 = arith.muli %scan3A_551, %mul3A_618 : i32
      %add3A_620 = arith.constant 112 : i32
      %add3A_621 = arith.addi %mul3A_619, %add3A_620 : i32
      %swap3A_622 = arith.index_cast %add3A_621 : i32 to index
      %swap3A_623 = tpu.vector_load %arg8[%swap3A_622] {strides = array<i32>} : memref<12800xi32, #tpu.memory_space<vmem>>, vector<16xi32>,
      tpu.vector_store %arg8[%swap3A_622], %get3A_617 {strides = array<i32>} : memref<12800xi32, #tpu.memory_space<vmem>>, vector<16xi32>,
    }
    %scan3A_122 = arith.constant 100 : i32
    %dma_start3A_123 = arith.constant 0 : i32
    %dma_start3A_124 = tpu.memref_slice %arg14[%dma_start3A_123] : memref<1000064xf32, #tpu.memory_space<vmem_shared>> -> memref<1000064xf32, #tpu.memory_space<vmem_shared>>
    tpu.enqueue_indirect_dma source(%dma_start3A_124 : memref<1000064xf32, #tpu.memory_space<vmem_shared>>) target(%arg11 : memref<12800xf32, #tpu.memory_space<vmem>>) offsets(%arg8 : memref<12800xi32, #tpu.memory_space<vmem>>) semaphore(%arg18 : memref<!tpu.dma_semaphore, #tpu.memory_space<semaphore_mem>>)
    %add3A_125 = arith.constant 256 : i32
    %add3A_126 = arith.addi %mul3A_2, %add3A_125 : i32
    %dma_start3A_127 = arith.constant 0 : i32
    %dma_start3A_128 = tpu.memref_slice %arg2[%dma_start3A_127, %add3A_126] : memref<100x16384xi32, #tpu.memory_space<hbm>> -> memref<100x128xi32, #tpu.memory_space<hbm>>
    %dma_start3A_129 = arith.constant 0 : i32
    %dma_start3A_130 = tpu.memref_slice %arg2[%dma_start3A_129, %add3A_126] : memref<100x16384xi32, #tpu.memory_space<hbm>> -> memref<100x128xi32, #tpu.memory_space<hbm>>
    tpu.enqueue_dma source(%dma_start3A_130 : memref<100x128xi32, #tpu.memory_space<hbm>>) target(%arg7 : memref<100x128xi32, #tpu.memory_space<vmem>>) target_semaphore(%arg15 : memref<!tpu.dma_semaphore, #tpu.memory_space<semaphore_mem>>)
    %dma_wait3A_131 = arith.constant 0 : i32
    %dma_wait3A_132 = tpu.memref_slice %arg3[%dma_wait3A_131, %add3A_89] : memref<100x16384xf32, #tpu.memory_space<hbm>> -> memref<100x128xf32, #tpu.memory_space<hbm>>
    %dma_wait3A_133 = arith.constant 0 : i32
    %dma_wait3A_134 = tpu.memref_slice %arg3[%dma_wait3A_133, %add3A_89] : memref<100x16384xf32, #tpu.memory_space<hbm>> -> memref<100x128xf32, #tpu.memory_space<hbm>>
    tpu.wait_dma2 semaphore(%arg16 : memref<!tpu.dma_semaphore, #tpu.memory_space<semaphore_mem>>) src(%dma_wait3A_134 : memref<100x128xf32, #tpu.memory_space<hbm>>) dst(%arg9 : memref<100x128xf32, #tpu.memory_space<vmem>>)
    %broadcast_in_dim3A = arith.constant 0.000000e+00 : f32
    %broadcast_in_dim3A_135 = vector.broadcast %broadcast_in_dim3A : f32 to vector<16xf32>
    %scan3A_136 = arith.constant 0 : i32
    %scan3A_137 = arith.constant 100 : i32
    %scan3A_138 = arith.addi %scan3A_136, %scan3A_137 : i32
    %scan3A_139 = arith.constant 1 : i32
    %scan3A_140 = scf.for %scan3A_551 = %scan3A_136 to %scan3A_138 step %scan3A_139 iter_args(%scan3A_552 = %broadcast_in_dim3A_135) -> (vector<16xf32>)  : i32 {
      %mul3A_553 = arith.constant 128 : i32
      %mul3A_554 = arith.muli %scan3A_551, %mul3A_553 : i32
      %add3A_555 = arith.constant 0 : i32
      %add3A_556 = arith.addi %mul3A_554, %add3A_555 : i32
      %get3A_557 = arith.index_cast %add3A_556 : i32 to index
      %get3A_558 = tpu.vector_load %arg10[%get3A_557] {strides = array<i32>} : memref<12800xf32, #tpu.memory_space<vmem>>, vector<16xf32>,
      %get3A_559 = arith.index_cast %scan3A_551 : i32 to index
      %get3A_560 = arith.constant 0 : index
      %get3A_561 = tpu.vector_load %arg9[%get3A_559, %get3A_560] {strides = array<i32>} : memref<100x128xf32, #tpu.memory_space<vmem>>, vector<16xf32>,
      %mul3A_562 = arith.mulf %get3A_558, %get3A_561 : vector<16xf32>
      %add3A_563 = arith.addf %scan3A_552, %mul3A_562 : vector<16xf32>
      scf.yield %add3A_563 : vector<16xf32>
    }
    %scan3A_141 = arith.constant 100 : i32
    %add3A_142 = arith.addf %scan3A_140, %get3A_3 : vector<16xf32>
    %swap3A = arith.constant 0 : index
    %swap3A_143 = tpu.vector_load %arg12[%swap3A] {strides = array<i32>} : memref<512xf32, #tpu.memory_space<vmem>>, vector<16xf32>,
    tpu.vector_store %arg12[%swap3A], %add3A_142 {strides = array<i32>} : memref<512xf32, #tpu.memory_space<vmem>>, vector<16xf32>,
    %broadcast_in_dim3A_144 = arith.constant 0.000000e+00 : f32
    %broadcast_in_dim3A_145 = vector.broadcast %broadcast_in_dim3A_144 : f32 to vector<16xf32>
    %scan3A_146 = arith.constant 0 : i32
    %scan3A_147 = arith.constant 100 : i32
    %scan3A_148 = arith.addi %scan3A_146, %scan3A_147 : i32
    %scan3A_149 = arith.constant 1 : i32
    %scan3A_150 = scf.for %scan3A_551 = %scan3A_146 to %scan3A_148 step %scan3A_149 iter_args(%scan3A_552 = %broadcast_in_dim3A_145) -> (vector<16xf32>)  : i32 {
      %mul3A_553 = arith.constant 128 : i32
      %mul3A_554 = arith.muli %scan3A_551, %mul3A_553 : i32
      %add3A_555 = arith.constant 16 : i32
      %add3A_556 = arith.addi %mul3A_554, %add3A_555 : i32
      %get3A_557 = arith.index_cast %add3A_556 : i32 to index
      %get3A_558 = tpu.vector_load %arg10[%get3A_557] {strides = array<i32>} : memref<12800xf32, #tpu.memory_space<vmem>>, vector<16xf32>,
      %get3A_559 = arith.index_cast %scan3A_551 : i32 to index
      %get3A_560 = arith.constant 16 : index
      %get3A_561 = tpu.vector_load %arg9[%get3A_559, %get3A_560] {strides = array<i32>} : memref<100x128xf32, #tpu.memory_space<vmem>>, vector<16xf32>,
      %mul3A_562 = arith.mulf %get3A_558, %get3A_561 : vector<16xf32>
      %add3A_563 = arith.addf %scan3A_552, %mul3A_562 : vector<16xf32>
      scf.yield %add3A_563 : vector<16xf32>
    }
    %scan3A_151 = arith.constant 100 : i32
    %add3A_152 = arith.addf %scan3A_150, %get3A_3 : vector<16xf32>
    %swap3A_153 = arith.constant 16 : index
    %swap3A_154 = tpu.vector_load %arg12[%swap3A_153] {strides = array<i32>} : memref<512xf32, #tpu.memory_space<vmem>>, vector<16xf32>,
    tpu.vector_store %arg12[%swap3A_153], %add3A_152 {strides = array<i32>} : memref<512xf32, #tpu.memory_space<vmem>>, vector<16xf32>,
    %broadcast_in_dim3A_155 = arith.constant 0.000000e+00 : f32
    %broadcast_in_dim3A_156 = vector.broadcast %broadcast_in_dim3A_155 : f32 to vector<16xf32>
    %scan3A_157 = arith.constant 0 : i32
    %scan3A_158 = arith.constant 100 : i32
    %scan3A_159 = arith.addi %scan3A_157, %scan3A_158 : i32
    %scan3A_160 = arith.constant 1 : i32
    %scan3A_161 = scf.for %scan3A_551 = %scan3A_157 to %scan3A_159 step %scan3A_160 iter_args(%scan3A_552 = %broadcast_in_dim3A_156) -> (vector<16xf32>)  : i32 {
      %mul3A_553 = arith.constant 128 : i32
      %mul3A_554 = arith.muli %scan3A_551, %mul3A_553 : i32
      %add3A_555 = arith.constant 32 : i32
      %add3A_556 = arith.addi %mul3A_554, %add3A_555 : i32
      %get3A_557 = arith.index_cast %add3A_556 : i32 to index
      %get3A_558 = tpu.vector_load %arg10[%get3A_557] {strides = array<i32>} : memref<12800xf32, #tpu.memory_space<vmem>>, vector<16xf32>,
      %get3A_559 = arith.index_cast %scan3A_551 : i32 to index
      %get3A_560 = arith.constant 32 : index
      %get3A_561 = tpu.vector_load %arg9[%get3A_559, %get3A_560] {strides = array<i32>} : memref<100x128xf32, #tpu.memory_space<vmem>>, vector<16xf32>,
      %mul3A_562 = arith.mulf %get3A_558, %get3A_561 : vector<16xf32>
      %add3A_563 = arith.addf %scan3A_552, %mul3A_562 : vector<16xf32>
      scf.yield %add3A_563 : vector<16xf32>
    }
    %scan3A_162 = arith.constant 100 : i32
    %add3A_163 = arith.addf %scan3A_161, %get3A_3 : vector<16xf32>
    %swap3A_164 = arith.constant 32 : index
    %swap3A_165 = tpu.vector_load %arg12[%swap3A_164] {strides = array<i32>} : memref<512xf32, #tpu.memory_space<vmem>>, vector<16xf32>,
    tpu.vector_store %arg12[%swap3A_164], %add3A_163 {strides = array<i32>} : memref<512xf32, #tpu.memory_space<vmem>>, vector<16xf32>,
    %broadcast_in_dim3A_166 = arith.constant 0.000000e+00 : f32
    %broadcast_in_dim3A_167 = vector.broadcast %broadcast_in_dim3A_166 : f32 to vector<16xf32>
    %scan3A_168 = arith.constant 0 : i32
    %scan3A_169 = arith.constant 100 : i32
    %scan3A_170 = arith.addi %scan3A_168, %scan3A_169 : i32
    %scan3A_171 = arith.constant 1 : i32
    %scan3A_172 = scf.for %scan3A_551 = %scan3A_168 to %scan3A_170 step %scan3A_171 iter_args(%scan3A_552 = %broadcast_in_dim3A_167) -> (vector<16xf32>)  : i32 {
      %mul3A_553 = arith.constant 128 : i32
      %mul3A_554 = arith.muli %scan3A_551, %mul3A_553 : i32
      %add3A_555 = arith.constant 48 : i32
      %add3A_556 = arith.addi %mul3A_554, %add3A_555 : i32
      %get3A_557 = arith.index_cast %add3A_556 : i32 to index
      %get3A_558 = tpu.vector_load %arg10[%get3A_557] {strides = array<i32>} : memref<12800xf32, #tpu.memory_space<vmem>>, vector<16xf32>,
      %get3A_559 = arith.index_cast %scan3A_551 : i32 to index
      %get3A_560 = arith.constant 48 : index
      %get3A_561 = tpu.vector_load %arg9[%get3A_559, %get3A_560] {strides = array<i32>} : memref<100x128xf32, #tpu.memory_space<vmem>>, vector<16xf32>,
      %mul3A_562 = arith.mulf %get3A_558, %get3A_561 : vector<16xf32>
      %add3A_563 = arith.addf %scan3A_552, %mul3A_562 : vector<16xf32>
      scf.yield %add3A_563 : vector<16xf32>
    }
    %scan3A_173 = arith.constant 100 : i32
    %add3A_174 = arith.addf %scan3A_172, %get3A_3 : vector<16xf32>
    %swap3A_175 = arith.constant 48 : index
    %swap3A_176 = tpu.vector_load %arg12[%swap3A_175] {strides = array<i32>} : memref<512xf32, #tpu.memory_space<vmem>>, vector<16xf32>,
    tpu.vector_store %arg12[%swap3A_175], %add3A_174 {strides = array<i32>} : memref<512xf32, #tpu.memory_space<vmem>>, vector<16xf32>,
    %broadcast_in_dim3A_177 = arith.constant 0.000000e+00 : f32
    %broadcast_in_dim3A_178 = vector.broadcast %broadcast_in_dim3A_177 : f32 to vector<16xf32>
    %scan3A_179 = arith.constant 0 : i32
    %scan3A_180 = arith.constant 100 : i32
    %scan3A_181 = arith.addi %scan3A_179, %scan3A_180 : i32
    %scan3A_182 = arith.constant 1 : i32
    %scan3A_183 = scf.for %scan3A_551 = %scan3A_179 to %scan3A_181 step %scan3A_182 iter_args(%scan3A_552 = %broadcast_in_dim3A_178) -> (vector<16xf32>)  : i32 {
      %mul3A_553 = arith.constant 128 : i32
      %mul3A_554 = arith.muli %scan3A_551, %mul3A_553 : i32
      %add3A_555 = arith.constant 64 : i32
      %add3A_556 = arith.addi %mul3A_554, %add3A_555 : i32
      %get3A_557 = arith.index_cast %add3A_556 : i32 to index
      %get3A_558 = tpu.vector_load %arg10[%get3A_557] {strides = array<i32>} : memref<12800xf32, #tpu.memory_space<vmem>>, vector<16xf32>,
      %get3A_559 = arith.index_cast %scan3A_551 : i32 to index
      %get3A_560 = arith.constant 64 : index
      %get3A_561 = tpu.vector_load %arg9[%get3A_559, %get3A_560] {strides = array<i32>} : memref<100x128xf32, #tpu.memory_space<vmem>>, vector<16xf32>,
      %mul3A_562 = arith.mulf %get3A_558, %get3A_561 : vector<16xf32>
      %add3A_563 = arith.addf %scan3A_552, %mul3A_562 : vector<16xf32>
      scf.yield %add3A_563 : vector<16xf32>
    }
    %scan3A_184 = arith.constant 100 : i32
    %add3A_185 = arith.addf %scan3A_183, %get3A_3 : vector<16xf32>
    %swap3A_186 = arith.constant 64 : index
    %swap3A_187 = tpu.vector_load %arg12[%swap3A_186] {strides = array<i32>} : memref<512xf32, #tpu.memory_space<vmem>>, vector<16xf32>,
    tpu.vector_store %arg12[%swap3A_186], %add3A_185 {strides = array<i32>} : memref<512xf32, #tpu.memory_space<vmem>>, vector<16xf32>,
    %broadcast_in_dim3A_188 = arith.constant 0.000000e+00 : f32
    %broadcast_in_dim3A_189 = vector.broadcast %broadcast_in_dim3A_188 : f32 to vector<16xf32>
    %scan3A_190 = arith.constant 0 : i32
    %scan3A_191 = arith.constant 100 : i32
    %scan3A_192 = arith.addi %scan3A_190, %scan3A_191 : i32
    %scan3A_193 = arith.constant 1 : i32
    %scan3A_194 = scf.for %scan3A_551 = %scan3A_190 to %scan3A_192 step %scan3A_193 iter_args(%scan3A_552 = %broadcast_in_dim3A_189) -> (vector<16xf32>)  : i32 {
      %mul3A_553 = arith.constant 128 : i32
      %mul3A_554 = arith.muli %scan3A_551, %mul3A_553 : i32
      %add3A_555 = arith.constant 80 : i32
      %add3A_556 = arith.addi %mul3A_554, %add3A_555 : i32
      %get3A_557 = arith.index_cast %add3A_556 : i32 to index
      %get3A_558 = tpu.vector_load %arg10[%get3A_557] {strides = array<i32>} : memref<12800xf32, #tpu.memory_space<vmem>>, vector<16xf32>,
      %get3A_559 = arith.index_cast %scan3A_551 : i32 to index
      %get3A_560 = arith.constant 80 : index
      %get3A_561 = tpu.vector_load %arg9[%get3A_559, %get3A_560] {strides = array<i32>} : memref<100x128xf32, #tpu.memory_space<vmem>>, vector<16xf32>,
      %mul3A_562 = arith.mulf %get3A_558, %get3A_561 : vector<16xf32>
      %add3A_563 = arith.addf %scan3A_552, %mul3A_562 : vector<16xf32>
      scf.yield %add3A_563 : vector<16xf32>
    }
    %scan3A_195 = arith.constant 100 : i32
    %add3A_196 = arith.addf %scan3A_194, %get3A_3 : vector<16xf32>
    %swap3A_197 = arith.constant 80 : index
    %swap3A_198 = tpu.vector_load %arg12[%swap3A_197] {strides = array<i32>} : memref<512xf32, #tpu.memory_space<vmem>>, vector<16xf32>,
    tpu.vector_store %arg12[%swap3A_197], %add3A_196 {strides = array<i32>} : memref<512xf32, #tpu.memory_space<vmem>>, vector<16xf32>,
    %broadcast_in_dim3A_199 = arith.constant 0.000000e+00 : f32
    %broadcast_in_dim3A_200 = vector.broadcast %broadcast_in_dim3A_199 : f32 to vector<16xf32>
    %scan3A_201 = arith.constant 0 : i32
    %scan3A_202 = arith.constant 100 : i32
    %scan3A_203 = arith.addi %scan3A_201, %scan3A_202 : i32
    %scan3A_204 = arith.constant 1 : i32
    %scan3A_205 = scf.for %scan3A_551 = %scan3A_201 to %scan3A_203 step %scan3A_204 iter_args(%scan3A_552 = %broadcast_in_dim3A_200) -> (vector<16xf32>)  : i32 {
      %mul3A_553 = arith.constant 128 : i32
      %mul3A_554 = arith.muli %scan3A_551, %mul3A_553 : i32
      %add3A_555 = arith.constant 96 : i32
      %add3A_556 = arith.addi %mul3A_554, %add3A_555 : i32
      %get3A_557 = arith.index_cast %add3A_556 : i32 to index
      %get3A_558 = tpu.vector_load %arg10[%get3A_557] {strides = array<i32>} : memref<12800xf32, #tpu.memory_space<vmem>>, vector<16xf32>,
      %get3A_559 = arith.index_cast %scan3A_551 : i32 to index
      %get3A_560 = arith.constant 96 : index
      %get3A_561 = tpu.vector_load %arg9[%get3A_559, %get3A_560] {strides = array<i32>} : memref<100x128xf32, #tpu.memory_space<vmem>>, vector<16xf32>,
      %mul3A_562 = arith.mulf %get3A_558, %get3A_561 : vector<16xf32>
      %add3A_563 = arith.addf %scan3A_552, %mul3A_562 : vector<16xf32>
      scf.yield %add3A_563 : vector<16xf32>
    }
    %scan3A_206 = arith.constant 100 : i32
    %add3A_207 = arith.addf %scan3A_205, %get3A_3 : vector<16xf32>
    %swap3A_208 = arith.constant 96 : index
    %swap3A_209 = tpu.vector_load %arg12[%swap3A_208] {strides = array<i32>} : memref<512xf32, #tpu.memory_space<vmem>>, vector<16xf32>,
    tpu.vector_store %arg12[%swap3A_208], %add3A_207 {strides = array<i32>} : memref<512xf32, #tpu.memory_space<vmem>>, vector<16xf32>,
    %broadcast_in_dim3A_210 = arith.constant 0.000000e+00 : f32
    %broadcast_in_dim3A_211 = vector.broadcast %broadcast_in_dim3A_210 : f32 to vector<16xf32>
    %scan3A_212 = arith.constant 0 : i32
    %scan3A_213 = arith.constant 100 : i32
    %scan3A_214 = arith.addi %scan3A_212, %scan3A_213 : i32
    %scan3A_215 = arith.constant 1 : i32
    %scan3A_216 = scf.for %scan3A_551 = %scan3A_212 to %scan3A_214 step %scan3A_215 iter_args(%scan3A_552 = %broadcast_in_dim3A_211) -> (vector<16xf32>)  : i32 {
      %mul3A_553 = arith.constant 128 : i32
      %mul3A_554 = arith.muli %scan3A_551, %mul3A_553 : i32
      %add3A_555 = arith.constant 112 : i32
      %add3A_556 = arith.addi %mul3A_554, %add3A_555 : i32
      %get3A_557 = arith.index_cast %add3A_556 : i32 to index
      %get3A_558 = tpu.vector_load %arg10[%get3A_557] {strides = array<i32>} : memref<12800xf32, #tpu.memory_space<vmem>>, vector<16xf32>,
      %get3A_559 = arith.index_cast %scan3A_551 : i32 to index
      %get3A_560 = arith.constant 112 : index
      %get3A_561 = tpu.vector_load %arg9[%get3A_559, %get3A_560] {strides = array<i32>} : memref<100x128xf32, #tpu.memory_space<vmem>>, vector<16xf32>,
      %mul3A_562 = arith.mulf %get3A_558, %get3A_561 : vector<16xf32>
      %add3A_563 = arith.addf %scan3A_552, %mul3A_562 : vector<16xf32>
      scf.yield %add3A_563 : vector<16xf32>
    }
    %scan3A_217 = arith.constant 100 : i32
    %add3A_218 = arith.addf %scan3A_216, %get3A_3 : vector<16xf32>
    %swap3A_219 = arith.constant 112 : index
    %swap3A_220 = tpu.vector_load %arg12[%swap3A_219] {strides = array<i32>} : memref<512xf32, #tpu.memory_space<vmem>>, vector<16xf32>,
    tpu.vector_store %arg12[%swap3A_219], %add3A_218 {strides = array<i32>} : memref<512xf32, #tpu.memory_space<vmem>>, vector<16xf32>,
    %add3A_221 = arith.constant 128 : i32
    %add3A_222 = arith.addi %mul3A_2, %add3A_221 : i32
    %dma_start3A_223 = arith.constant 0 : i32
    %dma_start3A_224 = tpu.memref_slice %arg3[%dma_start3A_223, %add3A_222] : memref<100x16384xf32, #tpu.memory_space<hbm>> -> memref<100x128xf32, #tpu.memory_space<hbm>>
    %dma_start3A_225 = arith.constant 0 : i32
    %dma_start3A_226 = tpu.memref_slice %arg3[%dma_start3A_225, %add3A_222] : memref<100x16384xf32, #tpu.memory_space<hbm>> -> memref<100x128xf32, #tpu.memory_space<hbm>>
    tpu.enqueue_dma source(%dma_start3A_226 : memref<100x128xf32, #tpu.memory_space<hbm>>) target(%arg9 : memref<100x128xf32, #tpu.memory_space<vmem>>) target_semaphore(%arg16 : memref<!tpu.dma_semaphore, #tpu.memory_space<semaphore_mem>>)
    %dma_wait3A_227 = arith.constant 0 : i32
    %dma_wait3A_228 = tpu.memref_slice %arg14[%dma_wait3A_227] : memref<1000064xf32, #tpu.memory_space<vmem_shared>> -> memref<1000064xf32, #tpu.memory_space<vmem_shared>>
    tpu.wait_indirect_dma semaphore(%arg18 : memref<!tpu.dma_semaphore, #tpu.memory_space<semaphore_mem>>) src(%dma_wait3A_228 : memref<1000064xf32, #tpu.memory_space<vmem_shared>>) dst(%arg11 : memref<12800xf32, #tpu.memory_space<vmem>>)
    %dma_wait3A_229 = arith.constant 0 : i32
    %dma_wait3A_230 = tpu.memref_slice %arg2[%dma_wait3A_229, %add3A_126] : memref<100x16384xi32, #tpu.memory_space<hbm>> -> memref<100x128xi32, #tpu.memory_space<hbm>>
    %dma_wait3A_231 = arith.constant 0 : i32
    %dma_wait3A_232 = tpu.memref_slice %arg2[%dma_wait3A_231, %add3A_126] : memref<100x16384xi32, #tpu.memory_space<hbm>> -> memref<100x128xi32, #tpu.memory_space<hbm>>
    tpu.wait_dma2 semaphore(%arg15 : memref<!tpu.dma_semaphore, #tpu.memory_space<semaphore_mem>>) src(%dma_wait3A_232 : memref<100x128xi32, #tpu.memory_space<hbm>>) dst(%arg7 : memref<100x128xi32, #tpu.memory_space<vmem>>)
    %scan3A_233 = arith.constant 0 : i32
    %scan3A_234 = arith.constant 0 : i32
    %scan3A_235 = arith.constant 100 : i32
    %scan3A_236 = arith.addi %scan3A_234, %scan3A_235 : i32
    %scan3A_237 = arith.constant 1 : i32
    scf.for %scan3A_551 = %scan3A_234 to %scan3A_236 step %scan3A_237  : i32 {
      %get3A_552 = arith.index_cast %scan3A_551 : i32 to index
      %get3A_553 = arith.constant 0 : index
      %get3A_554 = tpu.vector_load %arg7[%get3A_552, %get3A_553] {strides = array<i32>} : memref<100x128xi32, #tpu.memory_space<vmem>>, vector<16xi32>,
      %mul3A_555 = arith.constant 128 : i32
      %mul3A_556 = arith.muli %scan3A_551, %mul3A_555 : i32
      %add3A_557 = arith.constant 0 : i32
      %add3A_558 = arith.addi %mul3A_556, %add3A_557 : i32
      %swap3A_559 = arith.index_cast %add3A_558 : i32 to index
      %swap3A_560 = tpu.vector_load %arg8[%swap3A_559] {strides = array<i32>} : memref<12800xi32, #tpu.memory_space<vmem>>, vector<16xi32>,
      tpu.vector_store %arg8[%swap3A_559], %get3A_554 {strides = array<i32>} : memref<12800xi32, #tpu.memory_space<vmem>>, vector<16xi32>,
      %get3A_561 = arith.index_cast %scan3A_551 : i32 to index
      %get3A_562 = arith.constant 16 : index
      %get3A_563 = tpu.vector_load %arg7[%get3A_561, %get3A_562] {strides = array<i32>} : memref<100x128xi32, #tpu.memory_space<vmem>>, vector<16xi32>,
      %mul3A_564 = arith.constant 128 : i32
      %mul3A_565 = arith.muli %scan3A_551, %mul3A_564 : i32
      %add3A_566 = arith.constant 16 : i32
      %add3A_567 = arith.addi %mul3A_565, %add3A_566 : i32
      %swap3A_568 = arith.index_cast %add3A_567 : i32 to index
      %swap3A_569 = tpu.vector_load %arg8[%swap3A_568] {strides = array<i32>} : memref<12800xi32, #tpu.memory_space<vmem>>, vector<16xi32>,
      tpu.vector_store %arg8[%swap3A_568], %get3A_563 {strides = array<i32>} : memref<12800xi32, #tpu.memory_space<vmem>>, vector<16xi32>,
      %get3A_570 = arith.index_cast %scan3A_551 : i32 to index
      %get3A_571 = arith.constant 32 : index
      %get3A_572 = tpu.vector_load %arg7[%get3A_570, %get3A_571] {strides = array<i32>} : memref<100x128xi32, #tpu.memory_space<vmem>>, vector<16xi32>,
      %mul3A_573 = arith.constant 128 : i32
      %mul3A_574 = arith.muli %scan3A_551, %mul3A_573 : i32
      %add3A_575 = arith.constant 32 : i32
      %add3A_576 = arith.addi %mul3A_574, %add3A_575 : i32
      %swap3A_577 = arith.index_cast %add3A_576 : i32 to index
      %swap3A_578 = tpu.vector_load %arg8[%swap3A_577] {strides = array<i32>} : memref<12800xi32, #tpu.memory_space<vmem>>, vector<16xi32>,
      tpu.vector_store %arg8[%swap3A_577], %get3A_572 {strides = array<i32>} : memref<12800xi32, #tpu.memory_space<vmem>>, vector<16xi32>,
      %get3A_579 = arith.index_cast %scan3A_551 : i32 to index
      %get3A_580 = arith.constant 48 : index
      %get3A_581 = tpu.vector_load %arg7[%get3A_579, %get3A_580] {strides = array<i32>} : memref<100x128xi32, #tpu.memory_space<vmem>>, vector<16xi32>,
      %mul3A_582 = arith.constant 128 : i32
      %mul3A_583 = arith.muli %scan3A_551, %mul3A_582 : i32
      %add3A_584 = arith.constant 48 : i32
      %add3A_585 = arith.addi %mul3A_583, %add3A_584 : i32
      %swap3A_586 = arith.index_cast %add3A_585 : i32 to index
      %swap3A_587 = tpu.vector_load %arg8[%swap3A_586] {strides = array<i32>} : memref<12800xi32, #tpu.memory_space<vmem>>, vector<16xi32>,
      tpu.vector_store %arg8[%swap3A_586], %get3A_581 {strides = array<i32>} : memref<12800xi32, #tpu.memory_space<vmem>>, vector<16xi32>,
      %get3A_588 = arith.index_cast %scan3A_551 : i32 to index
      %get3A_589 = arith.constant 64 : index
      %get3A_590 = tpu.vector_load %arg7[%get3A_588, %get3A_589] {strides = array<i32>} : memref<100x128xi32, #tpu.memory_space<vmem>>, vector<16xi32>,
      %mul3A_591 = arith.constant 128 : i32
      %mul3A_592 = arith.muli %scan3A_551, %mul3A_591 : i32
      %add3A_593 = arith.constant 64 : i32
      %add3A_594 = arith.addi %mul3A_592, %add3A_593 : i32
      %swap3A_595 = arith.index_cast %add3A_594 : i32 to index
      %swap3A_596 = tpu.vector_load %arg8[%swap3A_595] {strides = array<i32>} : memref<12800xi32, #tpu.memory_space<vmem>>, vector<16xi32>,
      tpu.vector_store %arg8[%swap3A_595], %get3A_590 {strides = array<i32>} : memref<12800xi32, #tpu.memory_space<vmem>>, vector<16xi32>,
      %get3A_597 = arith.index_cast %scan3A_551 : i32 to index
      %get3A_598 = arith.constant 80 : index
      %get3A_599 = tpu.vector_load %arg7[%get3A_597, %get3A_598] {strides = array<i32>} : memref<100x128xi32, #tpu.memory_space<vmem>>, vector<16xi32>,
      %mul3A_600 = arith.constant 128 : i32
      %mul3A_601 = arith.muli %scan3A_551, %mul3A_600 : i32
      %add3A_602 = arith.constant 80 : i32
      %add3A_603 = arith.addi %mul3A_601, %add3A_602 : i32
      %swap3A_604 = arith.index_cast %add3A_603 : i32 to index
      %swap3A_605 = tpu.vector_load %arg8[%swap3A_604] {strides = array<i32>} : memref<12800xi32, #tpu.memory_space<vmem>>, vector<16xi32>,
      tpu.vector_store %arg8[%swap3A_604], %get3A_599 {strides = array<i32>} : memref<12800xi32, #tpu.memory_space<vmem>>, vector<16xi32>,
      %get3A_606 = arith.index_cast %scan3A_551 : i32 to index
      %get3A_607 = arith.constant 96 : index
      %get3A_608 = tpu.vector_load %arg7[%get3A_606, %get3A_607] {strides = array<i32>} : memref<100x128xi32, #tpu.memory_space<vmem>>, vector<16xi32>,
      %mul3A_609 = arith.constant 128 : i32
      %mul3A_610 = arith.muli %scan3A_551, %mul3A_609 : i32
      %add3A_611 = arith.constant 96 : i32
      %add3A_612 = arith.addi %mul3A_610, %add3A_611 : i32
      %swap3A_613 = arith.index_cast %add3A_612 : i32 to index
      %swap3A_614 = tpu.vector_load %arg8[%swap3A_613] {strides = array<i32>} : memref<12800xi32, #tpu.memory_space<vmem>>, vector<16xi32>,
      tpu.vector_store %arg8[%swap3A_613], %get3A_608 {strides = array<i32>} : memref<12800xi32, #tpu.memory_space<vmem>>, vector<16xi32>,
      %get3A_615 = arith.index_cast %scan3A_551 : i32 to index
      %get3A_616 = arith.constant 112 : index
      %get3A_617 = tpu.vector_load %arg7[%get3A_615, %get3A_616] {strides = array<i32>} : memref<100x128xi32, #tpu.memory_space<vmem>>, vector<16xi32>,
      %mul3A_618 = arith.constant 128 : i32
      %mul3A_619 = arith.muli %scan3A_551, %mul3A_618 : i32
      %add3A_620 = arith.constant 112 : i32
      %add3A_621 = arith.addi %mul3A_619, %add3A_620 : i32
      %swap3A_622 = arith.index_cast %add3A_621 : i32 to index
      %swap3A_623 = tpu.vector_load %arg8[%swap3A_622] {strides = array<i32>} : memref<12800xi32, #tpu.memory_space<vmem>>, vector<16xi32>,
      tpu.vector_store %arg8[%swap3A_622], %get3A_617 {strides = array<i32>} : memref<12800xi32, #tpu.memory_space<vmem>>, vector<16xi32>,
    }
    %scan3A_238 = arith.constant 100 : i32
    %dma_start3A_239 = arith.constant 0 : i32
    %dma_start3A_240 = tpu.memref_slice %arg14[%dma_start3A_239] : memref<1000064xf32, #tpu.memory_space<vmem_shared>> -> memref<1000064xf32, #tpu.memory_space<vmem_shared>>
    tpu.enqueue_indirect_dma source(%dma_start3A_240 : memref<1000064xf32, #tpu.memory_space<vmem_shared>>) target(%arg10 : memref<12800xf32, #tpu.memory_space<vmem>>) offsets(%arg8 : memref<12800xi32, #tpu.memory_space<vmem>>) semaphore(%arg17 : memref<!tpu.dma_semaphore, #tpu.memory_space<semaphore_mem>>)
    %add3A_241 = arith.constant 384 : i32
    %add3A_242 = arith.addi %mul3A_2, %add3A_241 : i32
    %dma_start3A_243 = arith.constant 0 : i32
    %dma_start3A_244 = tpu.memref_slice %arg2[%dma_start3A_243, %add3A_242] : memref<100x16384xi32, #tpu.memory_space<hbm>> -> memref<100x128xi32, #tpu.memory_space<hbm>>
    %dma_start3A_245 = arith.constant 0 : i32
    %dma_start3A_246 = tpu.memref_slice %arg2[%dma_start3A_245, %add3A_242] : memref<100x16384xi32, #tpu.memory_space<hbm>> -> memref<100x128xi32, #tpu.memory_space<hbm>>
    tpu.enqueue_dma source(%dma_start3A_246 : memref<100x128xi32, #tpu.memory_space<hbm>>) target(%arg7 : memref<100x128xi32, #tpu.memory_space<vmem>>) target_semaphore(%arg15 : memref<!tpu.dma_semaphore, #tpu.memory_space<semaphore_mem>>)
    %dma_wait3A_247 = arith.constant 0 : i32
    %dma_wait3A_248 = tpu.memref_slice %arg3[%dma_wait3A_247, %add3A_222] : memref<100x16384xf32, #tpu.memory_space<hbm>> -> memref<100x128xf32, #tpu.memory_space<hbm>>
    %dma_wait3A_249 = arith.constant 0 : i32
    %dma_wait3A_250 = tpu.memref_slice %arg3[%dma_wait3A_249, %add3A_222] : memref<100x16384xf32, #tpu.memory_space<hbm>> -> memref<100x128xf32, #tpu.memory_space<hbm>>
    tpu.wait_dma2 semaphore(%arg16 : memref<!tpu.dma_semaphore, #tpu.memory_space<semaphore_mem>>) src(%dma_wait3A_250 : memref<100x128xf32, #tpu.memory_space<hbm>>) dst(%arg9 : memref<100x128xf32, #tpu.memory_space<vmem>>)
    %broadcast_in_dim3A_251 = arith.constant 0.000000e+00 : f32
    %broadcast_in_dim3A_252 = vector.broadcast %broadcast_in_dim3A_251 : f32 to vector<16xf32>
    %scan3A_253 = arith.constant 0 : i32
    %scan3A_254 = arith.constant 100 : i32
    %scan3A_255 = arith.addi %scan3A_253, %scan3A_254 : i32
    %scan3A_256 = arith.constant 1 : i32
    %scan3A_257 = scf.for %scan3A_551 = %scan3A_253 to %scan3A_255 step %scan3A_256 iter_args(%scan3A_552 = %broadcast_in_dim3A_252) -> (vector<16xf32>)  : i32 {
      %mul3A_553 = arith.constant 128 : i32
      %mul3A_554 = arith.muli %scan3A_551, %mul3A_553 : i32
      %add3A_555 = arith.constant 0 : i32
      %add3A_556 = arith.addi %mul3A_554, %add3A_555 : i32
      %get3A_557 = arith.index_cast %add3A_556 : i32 to index
      %get3A_558 = tpu.vector_load %arg11[%get3A_557] {strides = array<i32>} : memref<12800xf32, #tpu.memory_space<vmem>>, vector<16xf32>,
      %get3A_559 = arith.index_cast %scan3A_551 : i32 to index
      %get3A_560 = arith.constant 0 : index
      %get3A_561 = tpu.vector_load %arg9[%get3A_559, %get3A_560] {strides = array<i32>} : memref<100x128xf32, #tpu.memory_space<vmem>>, vector<16xf32>,
      %mul3A_562 = arith.mulf %get3A_558, %get3A_561 : vector<16xf32>
      %add3A_563 = arith.addf %scan3A_552, %mul3A_562 : vector<16xf32>
      scf.yield %add3A_563 : vector<16xf32>
    }
    %scan3A_258 = arith.constant 100 : i32
    %add3A_259 = arith.addf %scan3A_257, %get3A_3 : vector<16xf32>
    %swap3A_260 = arith.constant 128 : index
    %swap3A_261 = tpu.vector_load %arg12[%swap3A_260] {strides = array<i32>} : memref<512xf32, #tpu.memory_space<vmem>>, vector<16xf32>,
    tpu.vector_store %arg12[%swap3A_260], %add3A_259 {strides = array<i32>} : memref<512xf32, #tpu.memory_space<vmem>>, vector<16xf32>,
    %broadcast_in_dim3A_262 = arith.constant 0.000000e+00 : f32
    %broadcast_in_dim3A_263 = vector.broadcast %broadcast_in_dim3A_262 : f32 to vector<16xf32>
    %scan3A_264 = arith.constant 0 : i32
    %scan3A_265 = arith.constant 100 : i32
    %scan3A_266 = arith.addi %scan3A_264, %scan3A_265 : i32
    %scan3A_267 = arith.constant 1 : i32
    %scan3A_268 = scf.for %scan3A_551 = %scan3A_264 to %scan3A_266 step %scan3A_267 iter_args(%scan3A_552 = %broadcast_in_dim3A_263) -> (vector<16xf32>)  : i32 {
      %mul3A_553 = arith.constant 128 : i32
      %mul3A_554 = arith.muli %scan3A_551, %mul3A_553 : i32
      %add3A_555 = arith.constant 16 : i32
      %add3A_556 = arith.addi %mul3A_554, %add3A_555 : i32
      %get3A_557 = arith.index_cast %add3A_556 : i32 to index
      %get3A_558 = tpu.vector_load %arg11[%get3A_557] {strides = array<i32>} : memref<12800xf32, #tpu.memory_space<vmem>>, vector<16xf32>,
      %get3A_559 = arith.index_cast %scan3A_551 : i32 to index
      %get3A_560 = arith.constant 16 : index
      %get3A_561 = tpu.vector_load %arg9[%get3A_559, %get3A_560] {strides = array<i32>} : memref<100x128xf32, #tpu.memory_space<vmem>>, vector<16xf32>,
      %mul3A_562 = arith.mulf %get3A_558, %get3A_561 : vector<16xf32>
      %add3A_563 = arith.addf %scan3A_552, %mul3A_562 : vector<16xf32>
      scf.yield %add3A_563 : vector<16xf32>
    }
    %scan3A_269 = arith.constant 100 : i32
    %add3A_270 = arith.addf %scan3A_268, %get3A_3 : vector<16xf32>
    %swap3A_271 = arith.constant 144 : index
    %swap3A_272 = tpu.vector_load %arg12[%swap3A_271] {strides = array<i32>} : memref<512xf32, #tpu.memory_space<vmem>>, vector<16xf32>,
    tpu.vector_store %arg12[%swap3A_271], %add3A_270 {strides = array<i32>} : memref<512xf32, #tpu.memory_space<vmem>>, vector<16xf32>,
    %broadcast_in_dim3A_273 = arith.constant 0.000000e+00 : f32
    %broadcast_in_dim3A_274 = vector.broadcast %broadcast_in_dim3A_273 : f32 to vector<16xf32>
    %scan3A_275 = arith.constant 0 : i32
    %scan3A_276 = arith.constant 100 : i32
    %scan3A_277 = arith.addi %scan3A_275, %scan3A_276 : i32
    %scan3A_278 = arith.constant 1 : i32
    %scan3A_279 = scf.for %scan3A_551 = %scan3A_275 to %scan3A_277 step %scan3A_278 iter_args(%scan3A_552 = %broadcast_in_dim3A_274) -> (vector<16xf32>)  : i32 {
      %mul3A_553 = arith.constant 128 : i32
      %mul3A_554 = arith.muli %scan3A_551, %mul3A_553 : i32
      %add3A_555 = arith.constant 32 : i32
      %add3A_556 = arith.addi %mul3A_554, %add3A_555 : i32
      %get3A_557 = arith.index_cast %add3A_556 : i32 to index
      %get3A_558 = tpu.vector_load %arg11[%get3A_557] {strides = array<i32>} : memref<12800xf32, #tpu.memory_space<vmem>>, vector<16xf32>,
      %get3A_559 = arith.index_cast %scan3A_551 : i32 to index
      %get3A_560 = arith.constant 32 : index
      %get3A_561 = tpu.vector_load %arg9[%get3A_559, %get3A_560] {strides = array<i32>} : memref<100x128xf32, #tpu.memory_space<vmem>>, vector<16xf32>,
      %mul3A_562 = arith.mulf %get3A_558, %get3A_561 : vector<16xf32>
      %add3A_563 = arith.addf %scan3A_552, %mul3A_562 : vector<16xf32>
      scf.yield %add3A_563 : vector<16xf32>
    }
    %scan3A_280 = arith.constant 100 : i32
    %add3A_281 = arith.addf %scan3A_279, %get3A_3 : vector<16xf32>
    %swap3A_282 = arith.constant 160 : index
    %swap3A_283 = tpu.vector_load %arg12[%swap3A_282] {strides = array<i32>} : memref<512xf32, #tpu.memory_space<vmem>>, vector<16xf32>,
    tpu.vector_store %arg12[%swap3A_282], %add3A_281 {strides = array<i32>} : memref<512xf32, #tpu.memory_space<vmem>>, vector<16xf32>,
    %broadcast_in_dim3A_284 = arith.constant 0.000000e+00 : f32
    %broadcast_in_dim3A_285 = vector.broadcast %broadcast_in_dim3A_284 : f32 to vector<16xf32>
    %scan3A_286 = arith.constant 0 : i32
    %scan3A_287 = arith.constant 100 : i32
    %scan3A_288 = arith.addi %scan3A_286, %scan3A_287 : i32
    %scan3A_289 = arith.constant 1 : i32
    %scan3A_290 = scf.for %scan3A_551 = %scan3A_286 to %scan3A_288 step %scan3A_289 iter_args(%scan3A_552 = %broadcast_in_dim3A_285) -> (vector<16xf32>)  : i32 {
      %mul3A_553 = arith.constant 128 : i32
      %mul3A_554 = arith.muli %scan3A_551, %mul3A_553 : i32
      %add3A_555 = arith.constant 48 : i32
      %add3A_556 = arith.addi %mul3A_554, %add3A_555 : i32
      %get3A_557 = arith.index_cast %add3A_556 : i32 to index
      %get3A_558 = tpu.vector_load %arg11[%get3A_557] {strides = array<i32>} : memref<12800xf32, #tpu.memory_space<vmem>>, vector<16xf32>,
      %get3A_559 = arith.index_cast %scan3A_551 : i32 to index
      %get3A_560 = arith.constant 48 : index
      %get3A_561 = tpu.vector_load %arg9[%get3A_559, %get3A_560] {strides = array<i32>} : memref<100x128xf32, #tpu.memory_space<vmem>>, vector<16xf32>,
      %mul3A_562 = arith.mulf %get3A_558, %get3A_561 : vector<16xf32>
      %add3A_563 = arith.addf %scan3A_552, %mul3A_562 : vector<16xf32>
      scf.yield %add3A_563 : vector<16xf32>
    }
    %scan3A_291 = arith.constant 100 : i32
    %add3A_292 = arith.addf %scan3A_290, %get3A_3 : vector<16xf32>
    %swap3A_293 = arith.constant 176 : index
    %swap3A_294 = tpu.vector_load %arg12[%swap3A_293] {strides = array<i32>} : memref<512xf32, #tpu.memory_space<vmem>>, vector<16xf32>,
    tpu.vector_store %arg12[%swap3A_293], %add3A_292 {strides = array<i32>} : memref<512xf32, #tpu.memory_space<vmem>>, vector<16xf32>,
    %broadcast_in_dim3A_295 = arith.constant 0.000000e+00 : f32
    %broadcast_in_dim3A_296 = vector.broadcast %broadcast_in_dim3A_295 : f32 to vector<16xf32>
    %scan3A_297 = arith.constant 0 : i32
    %scan3A_298 = arith.constant 100 : i32
    %scan3A_299 = arith.addi %scan3A_297, %scan3A_298 : i32
    %scan3A_300 = arith.constant 1 : i32
    %scan3A_301 = scf.for %scan3A_551 = %scan3A_297 to %scan3A_299 step %scan3A_300 iter_args(%scan3A_552 = %broadcast_in_dim3A_296) -> (vector<16xf32>)  : i32 {
      %mul3A_553 = arith.constant 128 : i32
      %mul3A_554 = arith.muli %scan3A_551, %mul3A_553 : i32
      %add3A_555 = arith.constant 64 : i32
      %add3A_556 = arith.addi %mul3A_554, %add3A_555 : i32
      %get3A_557 = arith.index_cast %add3A_556 : i32 to index
      %get3A_558 = tpu.vector_load %arg11[%get3A_557] {strides = array<i32>} : memref<12800xf32, #tpu.memory_space<vmem>>, vector<16xf32>,
      %get3A_559 = arith.index_cast %scan3A_551 : i32 to index
      %get3A_560 = arith.constant 64 : index
      %get3A_561 = tpu.vector_load %arg9[%get3A_559, %get3A_560] {strides = array<i32>} : memref<100x128xf32, #tpu.memory_space<vmem>>, vector<16xf32>,
      %mul3A_562 = arith.mulf %get3A_558, %get3A_561 : vector<16xf32>
      %add3A_563 = arith.addf %scan3A_552, %mul3A_562 : vector<16xf32>
      scf.yield %add3A_563 : vector<16xf32>
    }
    %scan3A_302 = arith.constant 100 : i32
    %add3A_303 = arith.addf %scan3A_301, %get3A_3 : vector<16xf32>
    %swap3A_304 = arith.constant 192 : index
    %swap3A_305 = tpu.vector_load %arg12[%swap3A_304] {strides = array<i32>} : memref<512xf32, #tpu.memory_space<vmem>>, vector<16xf32>,
    tpu.vector_store %arg12[%swap3A_304], %add3A_303 {strides = array<i32>} : memref<512xf32, #tpu.memory_space<vmem>>, vector<16xf32>,
    %broadcast_in_dim3A_306 = arith.constant 0.000000e+00 : f32
    %broadcast_in_dim3A_307 = vector.broadcast %broadcast_in_dim3A_306 : f32 to vector<16xf32>
    %scan3A_308 = arith.constant 0 : i32
    %scan3A_309 = arith.constant 100 : i32
    %scan3A_310 = arith.addi %scan3A_308, %scan3A_309 : i32
    %scan3A_311 = arith.constant 1 : i32
    %scan3A_312 = scf.for %scan3A_551 = %scan3A_308 to %scan3A_310 step %scan3A_311 iter_args(%scan3A_552 = %broadcast_in_dim3A_307) -> (vector<16xf32>)  : i32 {
      %mul3A_553 = arith.constant 128 : i32
      %mul3A_554 = arith.muli %scan3A_551, %mul3A_553 : i32
      %add3A_555 = arith.constant 80 : i32
      %add3A_556 = arith.addi %mul3A_554, %add3A_555 : i32
      %get3A_557 = arith.index_cast %add3A_556 : i32 to index
      %get3A_558 = tpu.vector_load %arg11[%get3A_557] {strides = array<i32>} : memref<12800xf32, #tpu.memory_space<vmem>>, vector<16xf32>,
      %get3A_559 = arith.index_cast %scan3A_551 : i32 to index
      %get3A_560 = arith.constant 80 : index
      %get3A_561 = tpu.vector_load %arg9[%get3A_559, %get3A_560] {strides = array<i32>} : memref<100x128xf32, #tpu.memory_space<vmem>>, vector<16xf32>,
      %mul3A_562 = arith.mulf %get3A_558, %get3A_561 : vector<16xf32>
      %add3A_563 = arith.addf %scan3A_552, %mul3A_562 : vector<16xf32>
      scf.yield %add3A_563 : vector<16xf32>
    }
    %scan3A_313 = arith.constant 100 : i32
    %add3A_314 = arith.addf %scan3A_312, %get3A_3 : vector<16xf32>
    %swap3A_315 = arith.constant 208 : index
    %swap3A_316 = tpu.vector_load %arg12[%swap3A_315] {strides = array<i32>} : memref<512xf32, #tpu.memory_space<vmem>>, vector<16xf32>,
    tpu.vector_store %arg12[%swap3A_315], %add3A_314 {strides = array<i32>} : memref<512xf32, #tpu.memory_space<vmem>>, vector<16xf32>,
    %broadcast_in_dim3A_317 = arith.constant 0.000000e+00 : f32
    %broadcast_in_dim3A_318 = vector.broadcast %broadcast_in_dim3A_317 : f32 to vector<16xf32>
    %scan3A_319 = arith.constant 0 : i32
    %scan3A_320 = arith.constant 100 : i32
    %scan3A_321 = arith.addi %scan3A_319, %scan3A_320 : i32
    %scan3A_322 = arith.constant 1 : i32
    %scan3A_323 = scf.for %scan3A_551 = %scan3A_319 to %scan3A_321 step %scan3A_322 iter_args(%scan3A_552 = %broadcast_in_dim3A_318) -> (vector<16xf32>)  : i32 {
      %mul3A_553 = arith.constant 128 : i32
      %mul3A_554 = arith.muli %scan3A_551, %mul3A_553 : i32
      %add3A_555 = arith.constant 96 : i32
      %add3A_556 = arith.addi %mul3A_554, %add3A_555 : i32
      %get3A_557 = arith.index_cast %add3A_556 : i32 to index
      %get3A_558 = tpu.vector_load %arg11[%get3A_557] {strides = array<i32>} : memref<12800xf32, #tpu.memory_space<vmem>>, vector<16xf32>,
      %get3A_559 = arith.index_cast %scan3A_551 : i32 to index
      %get3A_560 = arith.constant 96 : index
      %get3A_561 = tpu.vector_load %arg9[%get3A_559, %get3A_560] {strides = array<i32>} : memref<100x128xf32, #tpu.memory_space<vmem>>, vector<16xf32>,
      %mul3A_562 = arith.mulf %get3A_558, %get3A_561 : vector<16xf32>
      %add3A_563 = arith.addf %scan3A_552, %mul3A_562 : vector<16xf32>
      scf.yield %add3A_563 : vector<16xf32>
    }
    %scan3A_324 = arith.constant 100 : i32
    %add3A_325 = arith.addf %scan3A_323, %get3A_3 : vector<16xf32>
    %swap3A_326 = arith.constant 224 : index
    %swap3A_327 = tpu.vector_load %arg12[%swap3A_326] {strides = array<i32>} : memref<512xf32, #tpu.memory_space<vmem>>, vector<16xf32>,
    tpu.vector_store %arg12[%swap3A_326], %add3A_325 {strides = array<i32>} : memref<512xf32, #tpu.memory_space<vmem>>, vector<16xf32>,
    %broadcast_in_dim3A_328 = arith.constant 0.000000e+00 : f32
    %broadcast_in_dim3A_329 = vector.broadcast %broadcast_in_dim3A_328 : f32 to vector<16xf32>
    %scan3A_330 = arith.constant 0 : i32
    %scan3A_331 = arith.constant 100 : i32
    %scan3A_332 = arith.addi %scan3A_330, %scan3A_331 : i32
    %scan3A_333 = arith.constant 1 : i32
    %scan3A_334 = scf.for %scan3A_551 = %scan3A_330 to %scan3A_332 step %scan3A_333 iter_args(%scan3A_552 = %broadcast_in_dim3A_329) -> (vector<16xf32>)  : i32 {
      %mul3A_553 = arith.constant 128 : i32
      %mul3A_554 = arith.muli %scan3A_551, %mul3A_553 : i32
      %add3A_555 = arith.constant 112 : i32
      %add3A_556 = arith.addi %mul3A_554, %add3A_555 : i32
      %get3A_557 = arith.index_cast %add3A_556 : i32 to index
      %get3A_558 = tpu.vector_load %arg11[%get3A_557] {strides = array<i32>} : memref<12800xf32, #tpu.memory_space<vmem>>, vector<16xf32>,
      %get3A_559 = arith.index_cast %scan3A_551 : i32 to index
      %get3A_560 = arith.constant 112 : index
      %get3A_561 = tpu.vector_load %arg9[%get3A_559, %get3A_560] {strides = array<i32>} : memref<100x128xf32, #tpu.memory_space<vmem>>, vector<16xf32>,
      %mul3A_562 = arith.mulf %get3A_558, %get3A_561 : vector<16xf32>
      %add3A_563 = arith.addf %scan3A_552, %mul3A_562 : vector<16xf32>
      scf.yield %add3A_563 : vector<16xf32>
    }
    %scan3A_335 = arith.constant 100 : i32
    %add3A_336 = arith.addf %scan3A_334, %get3A_3 : vector<16xf32>
    %swap3A_337 = arith.constant 240 : index
    %swap3A_338 = tpu.vector_load %arg12[%swap3A_337] {strides = array<i32>} : memref<512xf32, #tpu.memory_space<vmem>>, vector<16xf32>,
    tpu.vector_store %arg12[%swap3A_337], %add3A_336 {strides = array<i32>} : memref<512xf32, #tpu.memory_space<vmem>>, vector<16xf32>,
    %add3A_339 = arith.constant 256 : i32
    %add3A_340 = arith.addi %mul3A_2, %add3A_339 : i32
    %dma_start3A_341 = arith.constant 0 : i32
    %dma_start3A_342 = tpu.memref_slice %arg3[%dma_start3A_341, %add3A_340] : memref<100x16384xf32, #tpu.memory_space<hbm>> -> memref<100x128xf32, #tpu.memory_space<hbm>>
    %dma_start3A_343 = arith.constant 0 : i32
    %dma_start3A_344 = tpu.memref_slice %arg3[%dma_start3A_343, %add3A_340] : memref<100x16384xf32, #tpu.memory_space<hbm>> -> memref<100x128xf32, #tpu.memory_space<hbm>>
    tpu.enqueue_dma source(%dma_start3A_344 : memref<100x128xf32, #tpu.memory_space<hbm>>) target(%arg9 : memref<100x128xf32, #tpu.memory_space<vmem>>) target_semaphore(%arg16 : memref<!tpu.dma_semaphore, #tpu.memory_space<semaphore_mem>>)
    %dma_wait3A_345 = arith.constant 0 : i32
    %dma_wait3A_346 = tpu.memref_slice %arg14[%dma_wait3A_345] : memref<1000064xf32, #tpu.memory_space<vmem_shared>> -> memref<1000064xf32, #tpu.memory_space<vmem_shared>>
    tpu.wait_indirect_dma semaphore(%arg17 : memref<!tpu.dma_semaphore, #tpu.memory_space<semaphore_mem>>) src(%dma_wait3A_346 : memref<1000064xf32, #tpu.memory_space<vmem_shared>>) dst(%arg10 : memref<12800xf32, #tpu.memory_space<vmem>>)
    %dma_wait3A_347 = arith.constant 0 : i32
    %dma_wait3A_348 = tpu.memref_slice %arg2[%dma_wait3A_347, %add3A_242] : memref<100x16384xi32, #tpu.memory_space<hbm>> -> memref<100x128xi32, #tpu.memory_space<hbm>>
    %dma_wait3A_349 = arith.constant 0 : i32
    %dma_wait3A_350 = tpu.memref_slice %arg2[%dma_wait3A_349, %add3A_242] : memref<100x16384xi32, #tpu.memory_space<hbm>> -> memref<100x128xi32, #tpu.memory_space<hbm>>
    tpu.wait_dma2 semaphore(%arg15 : memref<!tpu.dma_semaphore, #tpu.memory_space<semaphore_mem>>) src(%dma_wait3A_350 : memref<100x128xi32, #tpu.memory_space<hbm>>) dst(%arg7 : memref<100x128xi32, #tpu.memory_space<vmem>>)
    %scan3A_351 = arith.constant 0 : i32
    %scan3A_352 = arith.constant 0 : i32
    %scan3A_353 = arith.constant 100 : i32
    %scan3A_354 = arith.addi %scan3A_352, %scan3A_353 : i32
    %scan3A_355 = arith.constant 1 : i32
    scf.for %scan3A_551 = %scan3A_352 to %scan3A_354 step %scan3A_355  : i32 {
      %get3A_552 = arith.index_cast %scan3A_551 : i32 to index
      %get3A_553 = arith.constant 0 : index
      %get3A_554 = tpu.vector_load %arg7[%get3A_552, %get3A_553] {strides = array<i32>} : memref<100x128xi32, #tpu.memory_space<vmem>>, vector<16xi32>,
      %mul3A_555 = arith.constant 128 : i32
      %mul3A_556 = arith.muli %scan3A_551, %mul3A_555 : i32
      %add3A_557 = arith.constant 0 : i32
      %add3A_558 = arith.addi %mul3A_556, %add3A_557 : i32
      %swap3A_559 = arith.index_cast %add3A_558 : i32 to index
      %swap3A_560 = tpu.vector_load %arg8[%swap3A_559] {strides = array<i32>} : memref<12800xi32, #tpu.memory_space<vmem>>, vector<16xi32>,
      tpu.vector_store %arg8[%swap3A_559], %get3A_554 {strides = array<i32>} : memref<12800xi32, #tpu.memory_space<vmem>>, vector<16xi32>,
      %get3A_561 = arith.index_cast %scan3A_551 : i32 to index
      %get3A_562 = arith.constant 16 : index
      %get3A_563 = tpu.vector_load %arg7[%get3A_561, %get3A_562] {strides = array<i32>} : memref<100x128xi32, #tpu.memory_space<vmem>>, vector<16xi32>,
      %mul3A_564 = arith.constant 128 : i32
      %mul3A_565 = arith.muli %scan3A_551, %mul3A_564 : i32
      %add3A_566 = arith.constant 16 : i32
      %add3A_567 = arith.addi %mul3A_565, %add3A_566 : i32
      %swap3A_568 = arith.index_cast %add3A_567 : i32 to index
      %swap3A_569 = tpu.vector_load %arg8[%swap3A_568] {strides = array<i32>} : memref<12800xi32, #tpu.memory_space<vmem>>, vector<16xi32>,
      tpu.vector_store %arg8[%swap3A_568], %get3A_563 {strides = array<i32>} : memref<12800xi32, #tpu.memory_space<vmem>>, vector<16xi32>,
      %get3A_570 = arith.index_cast %scan3A_551 : i32 to index
      %get3A_571 = arith.constant 32 : index
      %get3A_572 = tpu.vector_load %arg7[%get3A_570, %get3A_571] {strides = array<i32>} : memref<100x128xi32, #tpu.memory_space<vmem>>, vector<16xi32>,
      %mul3A_573 = arith.constant 128 : i32
      %mul3A_574 = arith.muli %scan3A_551, %mul3A_573 : i32
      %add3A_575 = arith.constant 32 : i32
      %add3A_576 = arith.addi %mul3A_574, %add3A_575 : i32
      %swap3A_577 = arith.index_cast %add3A_576 : i32 to index
      %swap3A_578 = tpu.vector_load %arg8[%swap3A_577] {strides = array<i32>} : memref<12800xi32, #tpu.memory_space<vmem>>, vector<16xi32>,
      tpu.vector_store %arg8[%swap3A_577], %get3A_572 {strides = array<i32>} : memref<12800xi32, #tpu.memory_space<vmem>>, vector<16xi32>,
      %get3A_579 = arith.index_cast %scan3A_551 : i32 to index
      %get3A_580 = arith.constant 48 : index
      %get3A_581 = tpu.vector_load %arg7[%get3A_579, %get3A_580] {strides = array<i32>} : memref<100x128xi32, #tpu.memory_space<vmem>>, vector<16xi32>,
      %mul3A_582 = arith.constant 128 : i32
      %mul3A_583 = arith.muli %scan3A_551, %mul3A_582 : i32
      %add3A_584 = arith.constant 48 : i32
      %add3A_585 = arith.addi %mul3A_583, %add3A_584 : i32
      %swap3A_586 = arith.index_cast %add3A_585 : i32 to index
      %swap3A_587 = tpu.vector_load %arg8[%swap3A_586] {strides = array<i32>} : memref<12800xi32, #tpu.memory_space<vmem>>, vector<16xi32>,
      tpu.vector_store %arg8[%swap3A_586], %get3A_581 {strides = array<i32>} : memref<12800xi32, #tpu.memory_space<vmem>>, vector<16xi32>,
      %get3A_588 = arith.index_cast %scan3A_551 : i32 to index
      %get3A_589 = arith.constant 64 : index
      %get3A_590 = tpu.vector_load %arg7[%get3A_588, %get3A_589] {strides = array<i32>} : memref<100x128xi32, #tpu.memory_space<vmem>>, vector<16xi32>,
      %mul3A_591 = arith.constant 128 : i32
      %mul3A_592 = arith.muli %scan3A_551, %mul3A_591 : i32
      %add3A_593 = arith.constant 64 : i32
      %add3A_594 = arith.addi %mul3A_592, %add3A_593 : i32
      %swap3A_595 = arith.index_cast %add3A_594 : i32 to index
      %swap3A_596 = tpu.vector_load %arg8[%swap3A_595] {strides = array<i32>} : memref<12800xi32, #tpu.memory_space<vmem>>, vector<16xi32>,
      tpu.vector_store %arg8[%swap3A_595], %get3A_590 {strides = array<i32>} : memref<12800xi32, #tpu.memory_space<vmem>>, vector<16xi32>,
      %get3A_597 = arith.index_cast %scan3A_551 : i32 to index
      %get3A_598 = arith.constant 80 : index
      %get3A_599 = tpu.vector_load %arg7[%get3A_597, %get3A_598] {strides = array<i32>} : memref<100x128xi32, #tpu.memory_space<vmem>>, vector<16xi32>,
      %mul3A_600 = arith.constant 128 : i32
      %mul3A_601 = arith.muli %scan3A_551, %mul3A_600 : i32
      %add3A_602 = arith.constant 80 : i32
      %add3A_603 = arith.addi %mul3A_601, %add3A_602 : i32
      %swap3A_604 = arith.index_cast %add3A_603 : i32 to index
      %swap3A_605 = tpu.vector_load %arg8[%swap3A_604] {strides = array<i32>} : memref<12800xi32, #tpu.memory_space<vmem>>, vector<16xi32>,
      tpu.vector_store %arg8[%swap3A_604], %get3A_599 {strides = array<i32>} : memref<12800xi32, #tpu.memory_space<vmem>>, vector<16xi32>,
      %get3A_606 = arith.index_cast %scan3A_551 : i32 to index
      %get3A_607 = arith.constant 96 : index
      %get3A_608 = tpu.vector_load %arg7[%get3A_606, %get3A_607] {strides = array<i32>} : memref<100x128xi32, #tpu.memory_space<vmem>>, vector<16xi32>,
      %mul3A_609 = arith.constant 128 : i32
      %mul3A_610 = arith.muli %scan3A_551, %mul3A_609 : i32
      %add3A_611 = arith.constant 96 : i32
      %add3A_612 = arith.addi %mul3A_610, %add3A_611 : i32
      %swap3A_613 = arith.index_cast %add3A_612 : i32 to index
      %swap3A_614 = tpu.vector_load %arg8[%swap3A_613] {strides = array<i32>} : memref<12800xi32, #tpu.memory_space<vmem>>, vector<16xi32>,
      tpu.vector_store %arg8[%swap3A_613], %get3A_608 {strides = array<i32>} : memref<12800xi32, #tpu.memory_space<vmem>>, vector<16xi32>,
      %get3A_615 = arith.index_cast %scan3A_551 : i32 to index
      %get3A_616 = arith.constant 112 : index
      %get3A_617 = tpu.vector_load %arg7[%get3A_615, %get3A_616] {strides = array<i32>} : memref<100x128xi32, #tpu.memory_space<vmem>>, vector<16xi32>,
      %mul3A_618 = arith.constant 128 : i32
      %mul3A_619 = arith.muli %scan3A_551, %mul3A_618 : i32
      %add3A_620 = arith.constant 112 : i32
      %add3A_621 = arith.addi %mul3A_619, %add3A_620 : i32
      %swap3A_622 = arith.index_cast %add3A_621 : i32 to index
      %swap3A_623 = tpu.vector_load %arg8[%swap3A_622] {strides = array<i32>} : memref<12800xi32, #tpu.memory_space<vmem>>, vector<16xi32>,
      tpu.vector_store %arg8[%swap3A_622], %get3A_617 {strides = array<i32>} : memref<12800xi32, #tpu.memory_space<vmem>>, vector<16xi32>,
    }
    %scan3A_356 = arith.constant 100 : i32
    %dma_start3A_357 = arith.constant 0 : i32
    %dma_start3A_358 = tpu.memref_slice %arg14[%dma_start3A_357] : memref<1000064xf32, #tpu.memory_space<vmem_shared>> -> memref<1000064xf32, #tpu.memory_space<vmem_shared>>
    tpu.enqueue_indirect_dma source(%dma_start3A_358 : memref<1000064xf32, #tpu.memory_space<vmem_shared>>) target(%arg11 : memref<12800xf32, #tpu.memory_space<vmem>>) offsets(%arg8 : memref<12800xi32, #tpu.memory_space<vmem>>) semaphore(%arg18 : memref<!tpu.dma_semaphore, #tpu.memory_space<semaphore_mem>>)
    %dma_wait3A_359 = arith.constant 0 : i32
    %dma_wait3A_360 = tpu.memref_slice %arg3[%dma_wait3A_359, %add3A_340] : memref<100x16384xf32, #tpu.memory_space<hbm>> -> memref<100x128xf32, #tpu.memory_space<hbm>>
    %dma_wait3A_361 = arith.constant 0 : i32
    %dma_wait3A_362 = tpu.memref_slice %arg3[%dma_wait3A_361, %add3A_340] : memref<100x16384xf32, #tpu.memory_space<hbm>> -> memref<100x128xf32, #tpu.memory_space<hbm>>
    tpu.wait_dma2 semaphore(%arg16 : memref<!tpu.dma_semaphore, #tpu.memory_space<semaphore_mem>>) src(%dma_wait3A_362 : memref<100x128xf32, #tpu.memory_space<hbm>>) dst(%arg9 : memref<100x128xf32, #tpu.memory_space<vmem>>)
    %broadcast_in_dim3A_363 = arith.constant 0.000000e+00 : f32
    %broadcast_in_dim3A_364 = vector.broadcast %broadcast_in_dim3A_363 : f32 to vector<16xf32>
    %scan3A_365 = arith.constant 0 : i32
    %scan3A_366 = arith.constant 100 : i32
    %scan3A_367 = arith.addi %scan3A_365, %scan3A_366 : i32
    %scan3A_368 = arith.constant 1 : i32
    %scan3A_369 = scf.for %scan3A_551 = %scan3A_365 to %scan3A_367 step %scan3A_368 iter_args(%scan3A_552 = %broadcast_in_dim3A_364) -> (vector<16xf32>)  : i32 {
      %mul3A_553 = arith.constant 128 : i32
      %mul3A_554 = arith.muli %scan3A_551, %mul3A_553 : i32
      %add3A_555 = arith.constant 0 : i32
      %add3A_556 = arith.addi %mul3A_554, %add3A_555 : i32
      %get3A_557 = arith.index_cast %add3A_556 : i32 to index
      %get3A_558 = tpu.vector_load %arg10[%get3A_557] {strides = array<i32>} : memref<12800xf32, #tpu.memory_space<vmem>>, vector<16xf32>,
      %get3A_559 = arith.index_cast %scan3A_551 : i32 to index
      %get3A_560 = arith.constant 0 : index
      %get3A_561 = tpu.vector_load %arg9[%get3A_559, %get3A_560] {strides = array<i32>} : memref<100x128xf32, #tpu.memory_space<vmem>>, vector<16xf32>,
      %mul3A_562 = arith.mulf %get3A_558, %get3A_561 : vector<16xf32>
      %add3A_563 = arith.addf %scan3A_552, %mul3A_562 : vector<16xf32>
      scf.yield %add3A_563 : vector<16xf32>
    }
    %scan3A_370 = arith.constant 100 : i32
    %add3A_371 = arith.addf %scan3A_369, %get3A_3 : vector<16xf32>
    %swap3A_372 = arith.constant 256 : index
    %swap3A_373 = tpu.vector_load %arg12[%swap3A_372] {strides = array<i32>} : memref<512xf32, #tpu.memory_space<vmem>>, vector<16xf32>,
    tpu.vector_store %arg12[%swap3A_372], %add3A_371 {strides = array<i32>} : memref<512xf32, #tpu.memory_space<vmem>>, vector<16xf32>,
    %broadcast_in_dim3A_374 = arith.constant 0.000000e+00 : f32
    %broadcast_in_dim3A_375 = vector.broadcast %broadcast_in_dim3A_374 : f32 to vector<16xf32>
    %scan3A_376 = arith.constant 0 : i32
    %scan3A_377 = arith.constant 100 : i32
    %scan3A_378 = arith.addi %scan3A_376, %scan3A_377 : i32
    %scan3A_379 = arith.constant 1 : i32
    %scan3A_380 = scf.for %scan3A_551 = %scan3A_376 to %scan3A_378 step %scan3A_379 iter_args(%scan3A_552 = %broadcast_in_dim3A_375) -> (vector<16xf32>)  : i32 {
      %mul3A_553 = arith.constant 128 : i32
      %mul3A_554 = arith.muli %scan3A_551, %mul3A_553 : i32
      %add3A_555 = arith.constant 16 : i32
      %add3A_556 = arith.addi %mul3A_554, %add3A_555 : i32
      %get3A_557 = arith.index_cast %add3A_556 : i32 to index
      %get3A_558 = tpu.vector_load %arg10[%get3A_557] {strides = array<i32>} : memref<12800xf32, #tpu.memory_space<vmem>>, vector<16xf32>,
      %get3A_559 = arith.index_cast %scan3A_551 : i32 to index
      %get3A_560 = arith.constant 16 : index
      %get3A_561 = tpu.vector_load %arg9[%get3A_559, %get3A_560] {strides = array<i32>} : memref<100x128xf32, #tpu.memory_space<vmem>>, vector<16xf32>,
      %mul3A_562 = arith.mulf %get3A_558, %get3A_561 : vector<16xf32>
      %add3A_563 = arith.addf %scan3A_552, %mul3A_562 : vector<16xf32>
      scf.yield %add3A_563 : vector<16xf32>
    }
    %scan3A_381 = arith.constant 100 : i32
    %add3A_382 = arith.addf %scan3A_380, %get3A_3 : vector<16xf32>
    %swap3A_383 = arith.constant 272 : index
    %swap3A_384 = tpu.vector_load %arg12[%swap3A_383] {strides = array<i32>} : memref<512xf32, #tpu.memory_space<vmem>>, vector<16xf32>,
    tpu.vector_store %arg12[%swap3A_383], %add3A_382 {strides = array<i32>} : memref<512xf32, #tpu.memory_space<vmem>>, vector<16xf32>,
    %broadcast_in_dim3A_385 = arith.constant 0.000000e+00 : f32
    %broadcast_in_dim3A_386 = vector.broadcast %broadcast_in_dim3A_385 : f32 to vector<16xf32>
    %scan3A_387 = arith.constant 0 : i32
    %scan3A_388 = arith.constant 100 : i32
    %scan3A_389 = arith.addi %scan3A_387, %scan3A_388 : i32
    %scan3A_390 = arith.constant 1 : i32
    %scan3A_391 = scf.for %scan3A_551 = %scan3A_387 to %scan3A_389 step %scan3A_390 iter_args(%scan3A_552 = %broadcast_in_dim3A_386) -> (vector<16xf32>)  : i32 {
      %mul3A_553 = arith.constant 128 : i32
      %mul3A_554 = arith.muli %scan3A_551, %mul3A_553 : i32
      %add3A_555 = arith.constant 32 : i32
      %add3A_556 = arith.addi %mul3A_554, %add3A_555 : i32
      %get3A_557 = arith.index_cast %add3A_556 : i32 to index
      %get3A_558 = tpu.vector_load %arg10[%get3A_557] {strides = array<i32>} : memref<12800xf32, #tpu.memory_space<vmem>>, vector<16xf32>,
      %get3A_559 = arith.index_cast %scan3A_551 : i32 to index
      %get3A_560 = arith.constant 32 : index
      %get3A_561 = tpu.vector_load %arg9[%get3A_559, %get3A_560] {strides = array<i32>} : memref<100x128xf32, #tpu.memory_space<vmem>>, vector<16xf32>,
      %mul3A_562 = arith.mulf %get3A_558, %get3A_561 : vector<16xf32>
      %add3A_563 = arith.addf %scan3A_552, %mul3A_562 : vector<16xf32>
      scf.yield %add3A_563 : vector<16xf32>
    }
    %scan3A_392 = arith.constant 100 : i32
    %add3A_393 = arith.addf %scan3A_391, %get3A_3 : vector<16xf32>
    %swap3A_394 = arith.constant 288 : index
    %swap3A_395 = tpu.vector_load %arg12[%swap3A_394] {strides = array<i32>} : memref<512xf32, #tpu.memory_space<vmem>>, vector<16xf32>,
    tpu.vector_store %arg12[%swap3A_394], %add3A_393 {strides = array<i32>} : memref<512xf32, #tpu.memory_space<vmem>>, vector<16xf32>,
    %broadcast_in_dim3A_396 = arith.constant 0.000000e+00 : f32
    %broadcast_in_dim3A_397 = vector.broadcast %broadcast_in_dim3A_396 : f32 to vector<16xf32>
    %scan3A_398 = arith.constant 0 : i32
    %scan3A_399 = arith.constant 100 : i32
    %scan3A_400 = arith.addi %scan3A_398, %scan3A_399 : i32
    %scan3A_401 = arith.constant 1 : i32
    %scan3A_402 = scf.for %scan3A_551 = %scan3A_398 to %scan3A_400 step %scan3A_401 iter_args(%scan3A_552 = %broadcast_in_dim3A_397) -> (vector<16xf32>)  : i32 {
      %mul3A_553 = arith.constant 128 : i32
      %mul3A_554 = arith.muli %scan3A_551, %mul3A_553 : i32
      %add3A_555 = arith.constant 48 : i32
      %add3A_556 = arith.addi %mul3A_554, %add3A_555 : i32
      %get3A_557 = arith.index_cast %add3A_556 : i32 to index
      %get3A_558 = tpu.vector_load %arg10[%get3A_557] {strides = array<i32>} : memref<12800xf32, #tpu.memory_space<vmem>>, vector<16xf32>,
      %get3A_559 = arith.index_cast %scan3A_551 : i32 to index
      %get3A_560 = arith.constant 48 : index
      %get3A_561 = tpu.vector_load %arg9[%get3A_559, %get3A_560] {strides = array<i32>} : memref<100x128xf32, #tpu.memory_space<vmem>>, vector<16xf32>,
      %mul3A_562 = arith.mulf %get3A_558, %get3A_561 : vector<16xf32>
      %add3A_563 = arith.addf %scan3A_552, %mul3A_562 : vector<16xf32>
      scf.yield %add3A_563 : vector<16xf32>
    }
    %scan3A_403 = arith.constant 100 : i32
    %add3A_404 = arith.addf %scan3A_402, %get3A_3 : vector<16xf32>
    %swap3A_405 = arith.constant 304 : index
    %swap3A_406 = tpu.vector_load %arg12[%swap3A_405] {strides = array<i32>} : memref<512xf32, #tpu.memory_space<vmem>>, vector<16xf32>,
    tpu.vector_store %arg12[%swap3A_405], %add3A_404 {strides = array<i32>} : memref<512xf32, #tpu.memory_space<vmem>>, vector<16xf32>,
    %broadcast_in_dim3A_407 = arith.constant 0.000000e+00 : f32
    %broadcast_in_dim3A_408 = vector.broadcast %broadcast_in_dim3A_407 : f32 to vector<16xf32>
    %scan3A_409 = arith.constant 0 : i32
    %scan3A_410 = arith.constant 100 : i32
    %scan3A_411 = arith.addi %scan3A_409, %scan3A_410 : i32
    %scan3A_412 = arith.constant 1 : i32
    %scan3A_413 = scf.for %scan3A_551 = %scan3A_409 to %scan3A_411 step %scan3A_412 iter_args(%scan3A_552 = %broadcast_in_dim3A_408) -> (vector<16xf32>)  : i32 {
      %mul3A_553 = arith.constant 128 : i32
      %mul3A_554 = arith.muli %scan3A_551, %mul3A_553 : i32
      %add3A_555 = arith.constant 64 : i32
      %add3A_556 = arith.addi %mul3A_554, %add3A_555 : i32
      %get3A_557 = arith.index_cast %add3A_556 : i32 to index
      %get3A_558 = tpu.vector_load %arg10[%get3A_557] {strides = array<i32>} : memref<12800xf32, #tpu.memory_space<vmem>>, vector<16xf32>,
      %get3A_559 = arith.index_cast %scan3A_551 : i32 to index
      %get3A_560 = arith.constant 64 : index
      %get3A_561 = tpu.vector_load %arg9[%get3A_559, %get3A_560] {strides = array<i32>} : memref<100x128xf32, #tpu.memory_space<vmem>>, vector<16xf32>,
      %mul3A_562 = arith.mulf %get3A_558, %get3A_561 : vector<16xf32>
      %add3A_563 = arith.addf %scan3A_552, %mul3A_562 : vector<16xf32>
      scf.yield %add3A_563 : vector<16xf32>
    }
    %scan3A_414 = arith.constant 100 : i32
    %add3A_415 = arith.addf %scan3A_413, %get3A_3 : vector<16xf32>
    %swap3A_416 = arith.constant 320 : index
    %swap3A_417 = tpu.vector_load %arg12[%swap3A_416] {strides = array<i32>} : memref<512xf32, #tpu.memory_space<vmem>>, vector<16xf32>,
    tpu.vector_store %arg12[%swap3A_416], %add3A_415 {strides = array<i32>} : memref<512xf32, #tpu.memory_space<vmem>>, vector<16xf32>,
    %broadcast_in_dim3A_418 = arith.constant 0.000000e+00 : f32
    %broadcast_in_dim3A_419 = vector.broadcast %broadcast_in_dim3A_418 : f32 to vector<16xf32>
    %scan3A_420 = arith.constant 0 : i32
    %scan3A_421 = arith.constant 100 : i32
    %scan3A_422 = arith.addi %scan3A_420, %scan3A_421 : i32
    %scan3A_423 = arith.constant 1 : i32
    %scan3A_424 = scf.for %scan3A_551 = %scan3A_420 to %scan3A_422 step %scan3A_423 iter_args(%scan3A_552 = %broadcast_in_dim3A_419) -> (vector<16xf32>)  : i32 {
      %mul3A_553 = arith.constant 128 : i32
      %mul3A_554 = arith.muli %scan3A_551, %mul3A_553 : i32
      %add3A_555 = arith.constant 80 : i32
      %add3A_556 = arith.addi %mul3A_554, %add3A_555 : i32
      %get3A_557 = arith.index_cast %add3A_556 : i32 to index
      %get3A_558 = tpu.vector_load %arg10[%get3A_557] {strides = array<i32>} : memref<12800xf32, #tpu.memory_space<vmem>>, vector<16xf32>,
      %get3A_559 = arith.index_cast %scan3A_551 : i32 to index
      %get3A_560 = arith.constant 80 : index
      %get3A_561 = tpu.vector_load %arg9[%get3A_559, %get3A_560] {strides = array<i32>} : memref<100x128xf32, #tpu.memory_space<vmem>>, vector<16xf32>,
      %mul3A_562 = arith.mulf %get3A_558, %get3A_561 : vector<16xf32>
      %add3A_563 = arith.addf %scan3A_552, %mul3A_562 : vector<16xf32>
      scf.yield %add3A_563 : vector<16xf32>
    }
    %scan3A_425 = arith.constant 100 : i32
    %add3A_426 = arith.addf %scan3A_424, %get3A_3 : vector<16xf32>
    %swap3A_427 = arith.constant 336 : index
    %swap3A_428 = tpu.vector_load %arg12[%swap3A_427] {strides = array<i32>} : memref<512xf32, #tpu.memory_space<vmem>>, vector<16xf32>,
    tpu.vector_store %arg12[%swap3A_427], %add3A_426 {strides = array<i32>} : memref<512xf32, #tpu.memory_space<vmem>>, vector<16xf32>,
    %broadcast_in_dim3A_429 = arith.constant 0.000000e+00 : f32
    %broadcast_in_dim3A_430 = vector.broadcast %broadcast_in_dim3A_429 : f32 to vector<16xf32>
    %scan3A_431 = arith.constant 0 : i32
    %scan3A_432 = arith.constant 100 : i32
    %scan3A_433 = arith.addi %scan3A_431, %scan3A_432 : i32
    %scan3A_434 = arith.constant 1 : i32
    %scan3A_435 = scf.for %scan3A_551 = %scan3A_431 to %scan3A_433 step %scan3A_434 iter_args(%scan3A_552 = %broadcast_in_dim3A_430) -> (vector<16xf32>)  : i32 {
      %mul3A_553 = arith.constant 128 : i32
      %mul3A_554 = arith.muli %scan3A_551, %mul3A_553 : i32
      %add3A_555 = arith.constant 96 : i32
      %add3A_556 = arith.addi %mul3A_554, %add3A_555 : i32
      %get3A_557 = arith.index_cast %add3A_556 : i32 to index
      %get3A_558 = tpu.vector_load %arg10[%get3A_557] {strides = array<i32>} : memref<12800xf32, #tpu.memory_space<vmem>>, vector<16xf32>,
      %get3A_559 = arith.index_cast %scan3A_551 : i32 to index
      %get3A_560 = arith.constant 96 : index
      %get3A_561 = tpu.vector_load %arg9[%get3A_559, %get3A_560] {strides = array<i32>} : memref<100x128xf32, #tpu.memory_space<vmem>>, vector<16xf32>,
      %mul3A_562 = arith.mulf %get3A_558, %get3A_561 : vector<16xf32>
      %add3A_563 = arith.addf %scan3A_552, %mul3A_562 : vector<16xf32>
      scf.yield %add3A_563 : vector<16xf32>
    }
    %scan3A_436 = arith.constant 100 : i32
    %add3A_437 = arith.addf %scan3A_435, %get3A_3 : vector<16xf32>
    %swap3A_438 = arith.constant 352 : index
    %swap3A_439 = tpu.vector_load %arg12[%swap3A_438] {strides = array<i32>} : memref<512xf32, #tpu.memory_space<vmem>>, vector<16xf32>,
    tpu.vector_store %arg12[%swap3A_438], %add3A_437 {strides = array<i32>} : memref<512xf32, #tpu.memory_space<vmem>>, vector<16xf32>,
    %broadcast_in_dim3A_440 = arith.constant 0.000000e+00 : f32
    %broadcast_in_dim3A_441 = vector.broadcast %broadcast_in_dim3A_440 : f32 to vector<16xf32>
    %scan3A_442 = arith.constant 0 : i32
    %scan3A_443 = arith.constant 100 : i32
    %scan3A_444 = arith.addi %scan3A_442, %scan3A_443 : i32
    %scan3A_445 = arith.constant 1 : i32
    %scan3A_446 = scf.for %scan3A_551 = %scan3A_442 to %scan3A_444 step %scan3A_445 iter_args(%scan3A_552 = %broadcast_in_dim3A_441) -> (vector<16xf32>)  : i32 {
      %mul3A_553 = arith.constant 128 : i32
      %mul3A_554 = arith.muli %scan3A_551, %mul3A_553 : i32
      %add3A_555 = arith.constant 112 : i32
      %add3A_556 = arith.addi %mul3A_554, %add3A_555 : i32
      %get3A_557 = arith.index_cast %add3A_556 : i32 to index
      %get3A_558 = tpu.vector_load %arg10[%get3A_557] {strides = array<i32>} : memref<12800xf32, #tpu.memory_space<vmem>>, vector<16xf32>,
      %get3A_559 = arith.index_cast %scan3A_551 : i32 to index
      %get3A_560 = arith.constant 112 : index
      %get3A_561 = tpu.vector_load %arg9[%get3A_559, %get3A_560] {strides = array<i32>} : memref<100x128xf32, #tpu.memory_space<vmem>>, vector<16xf32>,
      %mul3A_562 = arith.mulf %get3A_558, %get3A_561 : vector<16xf32>
      %add3A_563 = arith.addf %scan3A_552, %mul3A_562 : vector<16xf32>
      scf.yield %add3A_563 : vector<16xf32>
    }
    %scan3A_447 = arith.constant 100 : i32
    %add3A_448 = arith.addf %scan3A_446, %get3A_3 : vector<16xf32>
    %swap3A_449 = arith.constant 368 : index
    %swap3A_450 = tpu.vector_load %arg12[%swap3A_449] {strides = array<i32>} : memref<512xf32, #tpu.memory_space<vmem>>, vector<16xf32>,
    tpu.vector_store %arg12[%swap3A_449], %add3A_448 {strides = array<i32>} : memref<512xf32, #tpu.memory_space<vmem>>, vector<16xf32>,
    %add3A_451 = arith.constant 384 : i32
    %add3A_452 = arith.addi %mul3A_2, %add3A_451 : i32
    %dma_start3A_453 = arith.constant 0 : i32
    %dma_start3A_454 = tpu.memref_slice %arg3[%dma_start3A_453, %add3A_452] : memref<100x16384xf32, #tpu.memory_space<hbm>> -> memref<100x128xf32, #tpu.memory_space<hbm>>
    %dma_start3A_455 = arith.constant 0 : i32
    %dma_start3A_456 = tpu.memref_slice %arg3[%dma_start3A_455, %add3A_452] : memref<100x16384xf32, #tpu.memory_space<hbm>> -> memref<100x128xf32, #tpu.memory_space<hbm>>
    tpu.enqueue_dma source(%dma_start3A_456 : memref<100x128xf32, #tpu.memory_space<hbm>>) target(%arg9 : memref<100x128xf32, #tpu.memory_space<vmem>>) target_semaphore(%arg16 : memref<!tpu.dma_semaphore, #tpu.memory_space<semaphore_mem>>)
    %dma_wait3A_457 = arith.constant 0 : i32
    %dma_wait3A_458 = tpu.memref_slice %arg14[%dma_wait3A_457] : memref<1000064xf32, #tpu.memory_space<vmem_shared>> -> memref<1000064xf32, #tpu.memory_space<vmem_shared>>
    tpu.wait_indirect_dma semaphore(%arg18 : memref<!tpu.dma_semaphore, #tpu.memory_space<semaphore_mem>>) src(%dma_wait3A_458 : memref<1000064xf32, #tpu.memory_space<vmem_shared>>) dst(%arg11 : memref<12800xf32, #tpu.memory_space<vmem>>)
    %dma_wait3A_459 = arith.constant 0 : i32
    %dma_wait3A_460 = tpu.memref_slice %arg3[%dma_wait3A_459, %add3A_452] : memref<100x16384xf32, #tpu.memory_space<hbm>> -> memref<100x128xf32, #tpu.memory_space<hbm>>
    %dma_wait3A_461 = arith.constant 0 : i32
    %dma_wait3A_462 = tpu.memref_slice %arg3[%dma_wait3A_461, %add3A_452] : memref<100x16384xf32, #tpu.memory_space<hbm>> -> memref<100x128xf32, #tpu.memory_space<hbm>>
    tpu.wait_dma2 semaphore(%arg16 : memref<!tpu.dma_semaphore, #tpu.memory_space<semaphore_mem>>) src(%dma_wait3A_462 : memref<100x128xf32, #tpu.memory_space<hbm>>) dst(%arg9 : memref<100x128xf32, #tpu.memory_space<vmem>>)
    %broadcast_in_dim3A_463 = arith.constant 0.000000e+00 : f32
    %broadcast_in_dim3A_464 = vector.broadcast %broadcast_in_dim3A_463 : f32 to vector<16xf32>
    %scan3A_465 = arith.constant 0 : i32
    %scan3A_466 = arith.constant 100 : i32
    %scan3A_467 = arith.addi %scan3A_465, %scan3A_466 : i32
    %scan3A_468 = arith.constant 1 : i32
    %scan3A_469 = scf.for %scan3A_551 = %scan3A_465 to %scan3A_467 step %scan3A_468 iter_args(%scan3A_552 = %broadcast_in_dim3A_464) -> (vector<16xf32>)  : i32 {
      %mul3A_553 = arith.constant 128 : i32
      %mul3A_554 = arith.muli %scan3A_551, %mul3A_553 : i32
      %add3A_555 = arith.constant 0 : i32
      %add3A_556 = arith.addi %mul3A_554, %add3A_555 : i32
      %get3A_557 = arith.index_cast %add3A_556 : i32 to index
      %get3A_558 = tpu.vector_load %arg11[%get3A_557] {strides = array<i32>} : memref<12800xf32, #tpu.memory_space<vmem>>, vector<16xf32>,
      %get3A_559 = arith.index_cast %scan3A_551 : i32 to index
      %get3A_560 = arith.constant 0 : index
      %get3A_561 = tpu.vector_load %arg9[%get3A_559, %get3A_560] {strides = array<i32>} : memref<100x128xf32, #tpu.memory_space<vmem>>, vector<16xf32>,
      %mul3A_562 = arith.mulf %get3A_558, %get3A_561 : vector<16xf32>
      %add3A_563 = arith.addf %scan3A_552, %mul3A_562 : vector<16xf32>
      scf.yield %add3A_563 : vector<16xf32>
    }
    %scan3A_470 = arith.constant 100 : i32
    %add3A_471 = arith.addf %scan3A_469, %get3A_3 : vector<16xf32>
    %swap3A_472 = arith.constant 384 : index
    %swap3A_473 = tpu.vector_load %arg12[%swap3A_472] {strides = array<i32>} : memref<512xf32, #tpu.memory_space<vmem>>, vector<16xf32>,
    tpu.vector_store %arg12[%swap3A_472], %add3A_471 {strides = array<i32>} : memref<512xf32, #tpu.memory_space<vmem>>, vector<16xf32>,
    %broadcast_in_dim3A_474 = arith.constant 0.000000e+00 : f32
    %broadcast_in_dim3A_475 = vector.broadcast %broadcast_in_dim3A_474 : f32 to vector<16xf32>
    %scan3A_476 = arith.constant 0 : i32
    %scan3A_477 = arith.constant 100 : i32
    %scan3A_478 = arith.addi %scan3A_476, %scan3A_477 : i32
    %scan3A_479 = arith.constant 1 : i32
    %scan3A_480 = scf.for %scan3A_551 = %scan3A_476 to %scan3A_478 step %scan3A_479 iter_args(%scan3A_552 = %broadcast_in_dim3A_475) -> (vector<16xf32>)  : i32 {
      %mul3A_553 = arith.constant 128 : i32
      %mul3A_554 = arith.muli %scan3A_551, %mul3A_553 : i32
      %add3A_555 = arith.constant 16 : i32
      %add3A_556 = arith.addi %mul3A_554, %add3A_555 : i32
      %get3A_557 = arith.index_cast %add3A_556 : i32 to index
      %get3A_558 = tpu.vector_load %arg11[%get3A_557] {strides = array<i32>} : memref<12800xf32, #tpu.memory_space<vmem>>, vector<16xf32>,
      %get3A_559 = arith.index_cast %scan3A_551 : i32 to index
      %get3A_560 = arith.constant 16 : index
      %get3A_561 = tpu.vector_load %arg9[%get3A_559, %get3A_560] {strides = array<i32>} : memref<100x128xf32, #tpu.memory_space<vmem>>, vector<16xf32>,
      %mul3A_562 = arith.mulf %get3A_558, %get3A_561 : vector<16xf32>
      %add3A_563 = arith.addf %scan3A_552, %mul3A_562 : vector<16xf32>
      scf.yield %add3A_563 : vector<16xf32>
    }
    %scan3A_481 = arith.constant 100 : i32
    %add3A_482 = arith.addf %scan3A_480, %get3A_3 : vector<16xf32>
    %swap3A_483 = arith.constant 400 : index
    %swap3A_484 = tpu.vector_load %arg12[%swap3A_483] {strides = array<i32>} : memref<512xf32, #tpu.memory_space<vmem>>, vector<16xf32>,
    tpu.vector_store %arg12[%swap3A_483], %add3A_482 {strides = array<i32>} : memref<512xf32, #tpu.memory_space<vmem>>, vector<16xf32>,
    %broadcast_in_dim3A_485 = arith.constant 0.000000e+00 : f32
    %broadcast_in_dim3A_486 = vector.broadcast %broadcast_in_dim3A_485 : f32 to vector<16xf32>
    %scan3A_487 = arith.constant 0 : i32
    %scan3A_488 = arith.constant 100 : i32
    %scan3A_489 = arith.addi %scan3A_487, %scan3A_488 : i32
    %scan3A_490 = arith.constant 1 : i32
    %scan3A_491 = scf.for %scan3A_551 = %scan3A_487 to %scan3A_489 step %scan3A_490 iter_args(%scan3A_552 = %broadcast_in_dim3A_486) -> (vector<16xf32>)  : i32 {
      %mul3A_553 = arith.constant 128 : i32
      %mul3A_554 = arith.muli %scan3A_551, %mul3A_553 : i32
      %add3A_555 = arith.constant 32 : i32
      %add3A_556 = arith.addi %mul3A_554, %add3A_555 : i32
      %get3A_557 = arith.index_cast %add3A_556 : i32 to index
      %get3A_558 = tpu.vector_load %arg11[%get3A_557] {strides = array<i32>} : memref<12800xf32, #tpu.memory_space<vmem>>, vector<16xf32>,
      %get3A_559 = arith.index_cast %scan3A_551 : i32 to index
      %get3A_560 = arith.constant 32 : index
      %get3A_561 = tpu.vector_load %arg9[%get3A_559, %get3A_560] {strides = array<i32>} : memref<100x128xf32, #tpu.memory_space<vmem>>, vector<16xf32>,
      %mul3A_562 = arith.mulf %get3A_558, %get3A_561 : vector<16xf32>
      %add3A_563 = arith.addf %scan3A_552, %mul3A_562 : vector<16xf32>
      scf.yield %add3A_563 : vector<16xf32>
    }
    %scan3A_492 = arith.constant 100 : i32
    %add3A_493 = arith.addf %scan3A_491, %get3A_3 : vector<16xf32>
    %swap3A_494 = arith.constant 416 : index
    %swap3A_495 = tpu.vector_load %arg12[%swap3A_494] {strides = array<i32>} : memref<512xf32, #tpu.memory_space<vmem>>, vector<16xf32>,
    tpu.vector_store %arg12[%swap3A_494], %add3A_493 {strides = array<i32>} : memref<512xf32, #tpu.memory_space<vmem>>, vector<16xf32>,
    %broadcast_in_dim3A_496 = arith.constant 0.000000e+00 : f32
    %broadcast_in_dim3A_497 = vector.broadcast %broadcast_in_dim3A_496 : f32 to vector<16xf32>
    %scan3A_498 = arith.constant 0 : i32
    %scan3A_499 = arith.constant 100 : i32
    %scan3A_500 = arith.addi %scan3A_498, %scan3A_499 : i32
    %scan3A_501 = arith.constant 1 : i32
    %scan3A_502 = scf.for %scan3A_551 = %scan3A_498 to %scan3A_500 step %scan3A_501 iter_args(%scan3A_552 = %broadcast_in_dim3A_497) -> (vector<16xf32>)  : i32 {
      %mul3A_553 = arith.constant 128 : i32
      %mul3A_554 = arith.muli %scan3A_551, %mul3A_553 : i32
      %add3A_555 = arith.constant 48 : i32
      %add3A_556 = arith.addi %mul3A_554, %add3A_555 : i32
      %get3A_557 = arith.index_cast %add3A_556 : i32 to index
      %get3A_558 = tpu.vector_load %arg11[%get3A_557] {strides = array<i32>} : memref<12800xf32, #tpu.memory_space<vmem>>, vector<16xf32>,
      %get3A_559 = arith.index_cast %scan3A_551 : i32 to index
      %get3A_560 = arith.constant 48 : index
      %get3A_561 = tpu.vector_load %arg9[%get3A_559, %get3A_560] {strides = array<i32>} : memref<100x128xf32, #tpu.memory_space<vmem>>, vector<16xf32>,
      %mul3A_562 = arith.mulf %get3A_558, %get3A_561 : vector<16xf32>
      %add3A_563 = arith.addf %scan3A_552, %mul3A_562 : vector<16xf32>
      scf.yield %add3A_563 : vector<16xf32>
    }
    %scan3A_503 = arith.constant 100 : i32
    %add3A_504 = arith.addf %scan3A_502, %get3A_3 : vector<16xf32>
    %swap3A_505 = arith.constant 432 : index
    %swap3A_506 = tpu.vector_load %arg12[%swap3A_505] {strides = array<i32>} : memref<512xf32, #tpu.memory_space<vmem>>, vector<16xf32>,
    tpu.vector_store %arg12[%swap3A_505], %add3A_504 {strides = array<i32>} : memref<512xf32, #tpu.memory_space<vmem>>, vector<16xf32>,
    %broadcast_in_dim3A_507 = arith.constant 0.000000e+00 : f32
    %broadcast_in_dim3A_508 = vector.broadcast %broadcast_in_dim3A_507 : f32 to vector<16xf32>
    %scan3A_509 = arith.constant 0 : i32
    %scan3A_510 = arith.constant 100 : i32
    %scan3A_511 = arith.addi %scan3A_509, %scan3A_510 : i32
    %scan3A_512 = arith.constant 1 : i32
    %scan3A_513 = scf.for %scan3A_551 = %scan3A_509 to %scan3A_511 step %scan3A_512 iter_args(%scan3A_552 = %broadcast_in_dim3A_508) -> (vector<16xf32>)  : i32 {
      %mul3A_553 = arith.constant 128 : i32
      %mul3A_554 = arith.muli %scan3A_551, %mul3A_553 : i32
      %add3A_555 = arith.constant 64 : i32
      %add3A_556 = arith.addi %mul3A_554, %add3A_555 : i32
      %get3A_557 = arith.index_cast %add3A_556 : i32 to index
      %get3A_558 = tpu.vector_load %arg11[%get3A_557] {strides = array<i32>} : memref<12800xf32, #tpu.memory_space<vmem>>, vector<16xf32>,
      %get3A_559 = arith.index_cast %scan3A_551 : i32 to index
      %get3A_560 = arith.constant 64 : index
      %get3A_561 = tpu.vector_load %arg9[%get3A_559, %get3A_560] {strides = array<i32>} : memref<100x128xf32, #tpu.memory_space<vmem>>, vector<16xf32>,
      %mul3A_562 = arith.mulf %get3A_558, %get3A_561 : vector<16xf32>
      %add3A_563 = arith.addf %scan3A_552, %mul3A_562 : vector<16xf32>
      scf.yield %add3A_563 : vector<16xf32>
    }
    %scan3A_514 = arith.constant 100 : i32
    %add3A_515 = arith.addf %scan3A_513, %get3A_3 : vector<16xf32>
    %swap3A_516 = arith.constant 448 : index
    %swap3A_517 = tpu.vector_load %arg12[%swap3A_516] {strides = array<i32>} : memref<512xf32, #tpu.memory_space<vmem>>, vector<16xf32>,
    tpu.vector_store %arg12[%swap3A_516], %add3A_515 {strides = array<i32>} : memref<512xf32, #tpu.memory_space<vmem>>, vector<16xf32>,
    %broadcast_in_dim3A_518 = arith.constant 0.000000e+00 : f32
    %broadcast_in_dim3A_519 = vector.broadcast %broadcast_in_dim3A_518 : f32 to vector<16xf32>
    %scan3A_520 = arith.constant 0 : i32
    %scan3A_521 = arith.constant 100 : i32
    %scan3A_522 = arith.addi %scan3A_520, %scan3A_521 : i32
    %scan3A_523 = arith.constant 1 : i32
    %scan3A_524 = scf.for %scan3A_551 = %scan3A_520 to %scan3A_522 step %scan3A_523 iter_args(%scan3A_552 = %broadcast_in_dim3A_519) -> (vector<16xf32>)  : i32 {
      %mul3A_553 = arith.constant 128 : i32
      %mul3A_554 = arith.muli %scan3A_551, %mul3A_553 : i32
      %add3A_555 = arith.constant 80 : i32
      %add3A_556 = arith.addi %mul3A_554, %add3A_555 : i32
      %get3A_557 = arith.index_cast %add3A_556 : i32 to index
      %get3A_558 = tpu.vector_load %arg11[%get3A_557] {strides = array<i32>} : memref<12800xf32, #tpu.memory_space<vmem>>, vector<16xf32>,
      %get3A_559 = arith.index_cast %scan3A_551 : i32 to index
      %get3A_560 = arith.constant 80 : index
      %get3A_561 = tpu.vector_load %arg9[%get3A_559, %get3A_560] {strides = array<i32>} : memref<100x128xf32, #tpu.memory_space<vmem>>, vector<16xf32>,
      %mul3A_562 = arith.mulf %get3A_558, %get3A_561 : vector<16xf32>
      %add3A_563 = arith.addf %scan3A_552, %mul3A_562 : vector<16xf32>
      scf.yield %add3A_563 : vector<16xf32>
    }
    %scan3A_525 = arith.constant 100 : i32
    %add3A_526 = arith.addf %scan3A_524, %get3A_3 : vector<16xf32>
    %swap3A_527 = arith.constant 464 : index
    %swap3A_528 = tpu.vector_load %arg12[%swap3A_527] {strides = array<i32>} : memref<512xf32, #tpu.memory_space<vmem>>, vector<16xf32>,
    tpu.vector_store %arg12[%swap3A_527], %add3A_526 {strides = array<i32>} : memref<512xf32, #tpu.memory_space<vmem>>, vector<16xf32>,
    %broadcast_in_dim3A_529 = arith.constant 0.000000e+00 : f32
    %broadcast_in_dim3A_530 = vector.broadcast %broadcast_in_dim3A_529 : f32 to vector<16xf32>
    %scan3A_531 = arith.constant 0 : i32
    %scan3A_532 = arith.constant 100 : i32
    %scan3A_533 = arith.addi %scan3A_531, %scan3A_532 : i32
    %scan3A_534 = arith.constant 1 : i32
    %scan3A_535 = scf.for %scan3A_551 = %scan3A_531 to %scan3A_533 step %scan3A_534 iter_args(%scan3A_552 = %broadcast_in_dim3A_530) -> (vector<16xf32>)  : i32 {
      %mul3A_553 = arith.constant 128 : i32
      %mul3A_554 = arith.muli %scan3A_551, %mul3A_553 : i32
      %add3A_555 = arith.constant 96 : i32
      %add3A_556 = arith.addi %mul3A_554, %add3A_555 : i32
      %get3A_557 = arith.index_cast %add3A_556 : i32 to index
      %get3A_558 = tpu.vector_load %arg11[%get3A_557] {strides = array<i32>} : memref<12800xf32, #tpu.memory_space<vmem>>, vector<16xf32>,
      %get3A_559 = arith.index_cast %scan3A_551 : i32 to index
      %get3A_560 = arith.constant 96 : index
      %get3A_561 = tpu.vector_load %arg9[%get3A_559, %get3A_560] {strides = array<i32>} : memref<100x128xf32, #tpu.memory_space<vmem>>, vector<16xf32>,
      %mul3A_562 = arith.mulf %get3A_558, %get3A_561 : vector<16xf32>
      %add3A_563 = arith.addf %scan3A_552, %mul3A_562 : vector<16xf32>
      scf.yield %add3A_563 : vector<16xf32>
    }
    %scan3A_536 = arith.constant 100 : i32
    %add3A_537 = arith.addf %scan3A_535, %get3A_3 : vector<16xf32>
    %swap3A_538 = arith.constant 480 : index
    %swap3A_539 = tpu.vector_load %arg12[%swap3A_538] {strides = array<i32>} : memref<512xf32, #tpu.memory_space<vmem>>, vector<16xf32>,
    tpu.vector_store %arg12[%swap3A_538], %add3A_537 {strides = array<i32>} : memref<512xf32, #tpu.memory_space<vmem>>, vector<16xf32>,
    %broadcast_in_dim3A_540 = arith.constant 0.000000e+00 : f32
    %broadcast_in_dim3A_541 = vector.broadcast %broadcast_in_dim3A_540 : f32 to vector<16xf32>
    %scan3A_542 = arith.constant 0 : i32
    %scan3A_543 = arith.constant 100 : i32
    %scan3A_544 = arith.addi %scan3A_542, %scan3A_543 : i32
    %scan3A_545 = arith.constant 1 : i32
    %scan3A_546 = scf.for %scan3A_551 = %scan3A_542 to %scan3A_544 step %scan3A_545 iter_args(%scan3A_552 = %broadcast_in_dim3A_541) -> (vector<16xf32>)  : i32 {
      %mul3A_553 = arith.constant 128 : i32
      %mul3A_554 = arith.muli %scan3A_551, %mul3A_553 : i32
      %add3A_555 = arith.constant 112 : i32
      %add3A_556 = arith.addi %mul3A_554, %add3A_555 : i32
      %get3A_557 = arith.index_cast %add3A_556 : i32 to index
      %get3A_558 = tpu.vector_load %arg11[%get3A_557] {strides = array<i32>} : memref<12800xf32, #tpu.memory_space<vmem>>, vector<16xf32>,
      %get3A_559 = arith.index_cast %scan3A_551 : i32 to index
      %get3A_560 = arith.constant 112 : index
      %get3A_561 = tpu.vector_load %arg9[%get3A_559, %get3A_560] {strides = array<i32>} : memref<100x128xf32, #tpu.memory_space<vmem>>, vector<16xf32>,
      %mul3A_562 = arith.mulf %get3A_558, %get3A_561 : vector<16xf32>
      %add3A_563 = arith.addf %scan3A_552, %mul3A_562 : vector<16xf32>
      scf.yield %add3A_563 : vector<16xf32>
    }
    %scan3A_547 = arith.constant 100 : i32
    %add3A_548 = arith.addf %scan3A_546, %get3A_3 : vector<16xf32>
    %swap3A_549 = arith.constant 496 : index
    %swap3A_550 = tpu.vector_load %arg12[%swap3A_549] {strides = array<i32>} : memref<512xf32, #tpu.memory_space<vmem>>, vector<16xf32>,
    tpu.vector_store %arg12[%swap3A_549], %add3A_548 {strides = array<i32>} : memref<512xf32, #tpu.memory_space<vmem>>, vector<16xf32>,
    "tpu.region"() ({
      %run_scoped3A = tpu.sem_alloc : memref<!tpu.dma_semaphore, #tpu.memory_space<semaphore_mem>>
      %dma_start3A_551 = tpu.memref_slice %arg6[%mul3A_2] : memref<16384xf32, #tpu.memory_space<hbm>> -> memref<512xf32, #tpu.memory_space<hbm>>
      %dma_start3A_552 = tpu.memref_slice %arg6[%mul3A_2] : memref<16384xf32, #tpu.memory_space<hbm>> -> memref<512xf32, #tpu.memory_space<hbm>>
      tpu.enqueue_dma source(%arg12 : memref<512xf32, #tpu.memory_space<vmem>>) target(%dma_start3A_552 : memref<512xf32, #tpu.memory_space<hbm>>) target_semaphore(%run_scoped3A : memref<!tpu.dma_semaphore, #tpu.memory_space<semaphore_mem>>)
      %dma_wait3A_553 = tpu.memref_slice %arg6[%mul3A_2] : memref<16384xf32, #tpu.memory_space<hbm>> -> memref<512xf32, #tpu.memory_space<hbm>>
      %dma_wait3A_554 = tpu.memref_slice %arg6[%mul3A_2] : memref<16384xf32, #tpu.memory_space<hbm>> -> memref<512xf32, #tpu.memory_space<hbm>>
      tpu.wait_dma2 semaphore(%run_scoped3A : memref<!tpu.dma_semaphore, #tpu.memory_space<semaphore_mem>>) src(%arg12 : memref<512xf32, #tpu.memory_space<vmem>>) dst(%dma_wait3A_554 : memref<512xf32, #tpu.memory_space<hbm>>)
      tpu.yield
    }) : () -> ()
    return
  }
}

</mosaic_0001>

<sc_bundles>
// kernel: kernel.3.cloned.1.call-start
scs
__scs_entry_jumppad:
0x0: {  	(pc) =	sbr.rel $0x88, $3  }
0x1: {  	(tag) =	ssettag $0x0;
	lr =	simm.s32 $0x1  }
0x2: {  	[smem:$0x3F9D] =	sst lr;
	_ =	strace $0xD0000000  }
0x3: {  	_ = 	snop  }
0x4: {  	_ = 	snop  }
0x5: {  	_ = 	snop  }
0x6: {  	_ = 	snop  }
0x7: {  	_ = 	snop  }
__scs_overlays_trampoline_lowered:
0x8: {  	[smem:$0x3FAC] =	sst s0  }
0x9: {  	[smem:$0x3FAD] =	sst s1  }
0xa: {  	[smem:$0x3FAE] =	sst s2  }
0xb: {  	[smem:$0x3FAF] =	sst s3  }
0xc: {  	[smem:$0x3FB0] =	sst s4  }
0xd: {  	[smem:$0x3FB1] =	sst s5  }
0xe: {  	[smem:$0x3FB2] =	sst s6  }
0xf: {  	[smem:$0x3FB3] =	sst s7  }
0x10: {  	[smem:$0x3FB4] =	sst s8  }
0x11: {  	[smem:$0x3FB5] =	sst s9;
	s0 =	simm.s32 @!p0 $0x0  }
0x12: {  	s1 =	sld [smem:$0x3F9B];
	s0 =	simm.s32 @p0 $0x1  }
0x13: {  	[smem:$0x3FB6] =	sst s0;
	s0 =	simm.s32 @!p1 $0x0  }
0x14: {  	s2 =	sld [smem:$0x3F9A];
	s0 =	simm.s32 @p1 $0x1  }
0x15: {  	[smem:$0x3FB7] =	sst s0;
	s0 =	simm.s32 @!p2 $0x0  }
0x16: {  	s3 =	sld [smem:$0x3FDB];
	s0 =	simm.s32 @p2 $0x1  }
0x17: {  	s4 =	simm.s32 $0x1BF5;
	[smem:$0x3FB9] =	sst s0  }
0x18: {  	s0 =	sld [smem:$0x3F9C];
	_ =	swait.ge [sflag:s4], $0x0  }
0x19: {  	s7 =	sld [smem:$0x3F9D]  }
0x1a: {  	s8 =	sadd.s32 $0xFFFFE003, lr  }
0x1b: {  	s9 =	sadd.s32 $0xFFFFFEF7, lr;
	s5 =	simm.s32 $0xFFFFFFFF;
	p2 =	slt.u32 s8, $0xFFFFF086  }
0x1c: {  	p1 =	slt.u32 s9, $0xF7A;
	s5 =	simm.s32 @!p2 $0x0  }
0x1d: {  	s5 =	simm.s32 @p1 $0x1;
	p0 =	seq.s32 s7, s2  }
0x1e: {  	s7 =	smul.u32 @!p0 $0xF7A, s2;
	p2 =	seq.s32 @!p0 s5, $0x0  }
0x1f: {  	s9 =	smul.u32 $0xF7A, s1;
	s8 =	simm.s32 @!p0 $0x1BF5;
	p2 =	por !p2, p0  }
0x20: {  	[sflag:s8] =	ssyncset.s32 @!p0 $0xFFFFF086;
	s6 =	sadd.s32 @!p0 s3, s7;
	s7 =	simm.s32 @!p0 $0x108  }
0x21: {  	s3 =	sadd.s32 s3, s9;
	s6 =	sadd.s32 @!p0 $0x88, s6;
	s7 =	simm.s32 @p2 $0x1082  }
0x22: {  	[simem:s7], [sflag:s8] =	dma.local @!p0 [hbm:s6], $0xF7A  }
0x23: {  	s9 =	sor.u32 $0xD0000000, s2;
	s6 =	simm.s32 $0x108;
	_ =	swait.ge @!p0 [sflag:s8], $0x0  }
0x24: {  	s3 =	sadd.s32 $0x88, s3;
	s6 =	simm.s32 @!p1 $0x1082;
	[sflag:s4] =	ssyncset.s32 $0xFFFFF086  }
0x25: {  	[simem:s6], [sflag:s4] =	dma.local [hbm:s3], $0xF7A  }
0x26: {  	[smem:$0x3F9D] =	sst s1;
	(tag) =	ssettag s2;
	_ =	strace s9  }
0x27: {  	s1 =	sld [smem:$0x3FAD]  }
0x28: {  	s2 =	sld [smem:$0x3FAE]  }
0x29: {  	s4 =	sld [smem:$0x3FB0]  }
0x2a: {  	p0 =	seq.s32 s5, $0x0;
	s5 =	sld [smem:$0x3FB1]  }
0x2b: {  	s6 =	sld [smem:$0x3FB2]  }
0x2c: {  	s7 =	sld [smem:$0x3FB3]  }
0x2d: {  	s3 =	simm.s32 $0x108;
	s8 =	sld [smem:$0x3FB4]  }
0x2e: {  	s3 =	simm.s32 @!p0 $0x1082;
	s9 =	sld [smem:$0x3FB5]  }
0x2f: {  	lr =	sadd.s32 s0, s3;
	s0 =	sld [smem:$0x3FAC]  }
0x30: {  	s3 =	sld [smem:$0x3FAF]  }
0x31: {  	[smem:$0x3FB8] =	sst s10  }
0x32: {  	s10 =	sld [smem:$0x3FB6];
	_ =	sdelay $0x3  }
0x33: {  	p0 =	seq.s32 s10, $0x1;
	s10 =	sld [smem:$0x3FB8];
	_ =	sdelay $0x3  }
0x34: {  	[smem:$0x3FB8] =	sst s10  }
0x35: {  	s10 =	sld [smem:$0x3FB7];
	_ =	sdelay $0x3  }
0x36: {  	p1 =	seq.s32 s10, $0x1;
	s10 =	sld [smem:$0x3FB8];
	_ =	sdelay $0x3  }
0x37: {  	[smem:$0x3FB8] =	sst s10  }
0x38: {  	s10 =	sld [smem:$0x3FB9]  }
0x39: {  	_ = 	snop;
	(pc) =	sbr.ind lr, $3  }
0x3a: {  	_ = 	snop  }
0x3b: {  	_ = 	snop  }
0x3c: {  	p2 =	seq.s32 s10, $0x1;
	s10 =	sld [smem:$0x3FB8]  }
0x3d: {  	_ =	shalt  }
0x3e: {  	_ =	shalt  }
0x3f: {  	_ =	shalt  }
0x40: {  	_ =	shalt  }
0x41: {  	_ =	shalt  }
0x42: {  	_ =	shalt  }
0x43: {  	_ =	shalt  }
0x44: {  	_ =	shalt  }
0x45: {  	_ =	shalt  }
0x46: {  	_ =	shalt  }
0x47: {  	_ =	shalt  }
0x48: {  	_ =	shalt  }
0x49: {  	_ =	shalt  }
0x4a: {  	_ =	shalt  }
0x4b: {  	_ =	shalt  }
0x4c: {  	_ =	shalt  }
0x4d: {  	_ =	shalt  }
0x4e: {  	_ =	shalt  }
0x4f: {  	_ =	shalt  }
0x50: {  	_ =	shalt  }
0x51: {  	_ =	shalt  }
0x52: {  	_ =	shalt  }
0x53: {  	_ =	shalt  }
0x54: {  	_ =	shalt  }
0x55: {  	_ =	shalt  }
0x56: {  	_ =	shalt  }
0x57: {  	_ =	shalt  }
0x58: {  	_ =	shalt  }
0x59: {  	_ =	shalt  }
0x5a: {  	_ =	shalt  }
0x5b: {  	_ =	shalt  }
0x5c: {  	_ =	shalt  }
0x5d: {  	_ =	shalt  }
0x5e: {  	_ =	shalt  }
0x5f: {  	_ =	shalt  }
0x60: {  	_ =	shalt  }
0x61: {  	_ =	shalt  }
0x62: {  	_ =	shalt  }
0x63: {  	_ =	shalt  }
0x64: {  	_ =	shalt  }
0x65: {  	_ =	shalt  }
0x66: {  	_ =	shalt  }
0x67: {  	_ =	shalt  }
0x68: {  	_ =	shalt  }
0x69: {  	_ =	shalt  }
0x6a: {  	_ =	shalt  }
0x6b: {  	_ =	shalt  }
0x6c: {  	_ =	shalt  }
0x6d: {  	_ =	shalt  }
0x6e: {  	_ =	shalt  }
0x6f: {  	_ =	shalt  }
0x70: {  	_ =	shalt  }
0x71: {  	_ =	shalt  }
0x72: {  	_ =	shalt  }
0x73: {  	_ =	shalt  }
0x74: {  	_ =	shalt  }
0x75: {  	_ =	shalt  }
0x76: {  	_ =	shalt  }
0x77: {  	_ =	shalt  }
0x78: {  	_ =	shalt  }
0x79: {  	_ =	shalt  }
0x7a: {  	_ =	shalt  }
0x7b: {  	_ =	shalt  }
0x7c: {  	_ =	shalt  }
0x7d: {  	_ =	shalt  }
0x7e: {  	_ =	shalt  }
0x7f: {  	_ =	shalt  }
0x80: {  	_ =	shalt  }
0x81: {  	_ =	shalt  }
0x82: {  	_ =	shalt  }
0x83: {  	_ =	shalt  }
0x84: {  	_ =	shalt  }
0x85: {  	_ =	shalt  }
0x86: {  	_ =	shalt  }
0x87: {  	_ =	shalt  }
.Lfunc_end0:
.L_simem_size_0:
called_computation_lowered:
.L_overlay_start_0:
0x88: {  	s2 =	sld [smem:$0x3FD9]  }
0x89: {  	s3 =	sld [smem:$0x3FFE];
	_ =	sdelay $0x1  }
0x8a: {  	s1 =	srdreg.scid  }
0x8b: {  	s0 =	sand.u32 $0x1, s1  }
0x8c: {  	s17 =	sshll.u32 s0, $0xA;
	s2 =	sadd.s32 s3, s2  }
0x8d: {  	s2 =	sadd.s32 s2, s17  }
0x8e: {  	[smem:$0x3FC4] =	sst s2  }
0x8f: {  	_ = 	snop  }
0x90: {  	s2 =	sld [smem:$0x3FC9]  }
0x91: {  	s18 =	sld [smem:$0x3FC8]  }
0x92: {  	s4 =	sld [smem:$0x3FD0];
	(tm) =	ssettm $0x1  }
0x93: {  	s5 =	sld [smem:$0x3FFB];
	_ =	sdelay $0x3  }
0x94: {  	_ =	strace s5  }
0x95: {  	s5 =	sld [smem:$0x3FFC];
	_ =	sdelay $0x3  }
0x96: {  	_ =	strace s5  }
0x97: {  	s5 =	sld [smem:$0x3FFD];
	_ =	sdelay $0x3  }
0x98: {  	_ =	strace s5  }
0x99: {  	_ =	strace $0x8FFFFFFF  }
0x9a: {  	s19 =	sld [smem:$0x3FDB];
	_ =	sdelay $0x1  }
0x9b: {  	s6 =	simm.s32 $_scs_section_size  }
0x9c: {  	s7 =	simm.s32 $_size__tile_overlayer_lowered;
	s8 =	simm.s32 $_tile_overlayer_lowered  }
0x9d: {  	s22 =	simm.s32 $0x1BFF;
	s21 =	sshll.u32 s8, $0x1;
	s5 =	sadd.s32 s6, s19  }
0x9e: {  	s9 =	simm.s32 $0x0;
	s20 =	sshll.u32 s7, $0x1;
	s7 =	sadd.s32 s21, s5  }
0x9f: {  	[timem:s9], [sflag:s22] =	dma.local [hbm:s7], s20  }
0xa0: {  	_ =	swait.ge [sflag:s22], s20  }
0xa1: {  	s6 =	ssub.s32 $0x0, s20;
	[sflag:s22] =	ssyncset.done $0x0  }
0xa2: {  	[sflag:s22] =	ssyncadd.s32 s6;
	_ =	sdelay $0x1  }
0xa3: {  	s23 =	simm.s32 $0x1B8B  }
0xa4: {  	_ =	swait.ge [sflag:s23], $0x1  }
0xa5: {  	[sflag:s23] =	ssyncset.done $0x0  }
0xa6: {  	s25 =	simm.s32 $0x1B8E;
	s24 =	sld [smem:$0x3FFE];
	[sflag:s23] =	ssyncadd.s32 $0xFFFFFFFF  }
0xa7: {  	s26 =	simm.s32 $execute0_lowered;
	[smem:$0x3FD2] =	sst s25  }
0xa8: {  	s7 =	sshll.u32 s26, $0x1;
	_ =	strace $0x80000046;
	[dreg:$0x1] =	wrdreg $0xFFFFFFFF  }
0xa9: {  	s28 =	simm.s32 $_size_execute0_lowered;
	s5 =	sadd.s32 s5, s7;
	[dreg:$0x0] =	wrdreg $0x0  }
0xaa: {  	s7 =	sshll.u32 s28, $0x1;
	[dreg:$0x2] =	wrdreg s5  }
0xab: {  	[dreg:$0x3] =	wrdreg s7  }
0xac: {  	[dreg:$0x4] =	wrdreg $0xC0  }
0xad: {  	_ =	task [dreg:s9], $0x5FFFF  }
0xae: {  	[dreg:$0x1] =	wrdreg $0xFFFFFFFF  }
0xaf: {  	[dreg:$0x0] =	wrdreg $0x60  }
0xb0: {  	[dreg:$0x2] =	wrdreg s2  }
0xb1: {  	[dreg:$0x3] =	wrdreg s18  }
0xb2: {  	[dreg:$0x4] =	wrdreg s24  }
0xb3: {  	[dreg:$0x5] =	wrdreg s4  }
0xb4: {  	[dreg:$0x6] =	wrdreg $0x100800  }
0xb5: {  	[dreg:$0x7] =	wrdreg $0x9  }
0xb6: {  	_ =	task.clear_ibuf [dreg:s9], $0x8FFFF;
	_ =	strace $0x90000046  }
0xb7: {  	s29 =	simm.s32 $0x9;
	_ =	strace $0x80000048  }
0xb8: {  	_ =	swait.ge [sflag:s29], $0x1  }
0xb9: {  	[sflag:s29] =	ssyncadd.s32 $0xFFFFFFFF  }
0xba: {  	_ =	strace $0x90000048  }
0xbb: {  	_ =	sfence  }
0xbc: {  	s30 =	sld [smem:$0x0];
	_ =	sdelay $0x2  }
0xbd: {  	s31 =	sshll.u32 s1, $0xD;
	s1 =	sshrl.u32 s1, $0x2  }
0xbe: {  	s3 =	sand.u32 $0x4000, s31;
	s1 =	sadd.s32 s1, s30  }
0xbf: {  	s0 =	sor.u32 s3, s0;
	s1 =	sshll.u32 s1, $0x11  }
0xc0: {  	s0 =	sor.u32 s1, s0  }
0xc1: {  	s0 =	sadd.s32 $0x8F2B, s0  }
0xc2: {  	[sflag:s0] =	ssyncadd.remote.s32 $0x1  }
0xc3: {  	_ =	sfence.sel $0xFFFF  }
0xc4: {  	[dreg:$0x0] =	wrdreg $0xFFFFFFFF;
	(pc) =	sbr.abs _section_cstart, $3  }
0xc5: {  	[dreg:$0x1] =	wrdreg $0xFFFFFFFF  }
0xc6: {  	_ =	task.clear_ibuf [dreg:s9], $0x2FFFF;
	_ =	strace $0x9FFFFFFF  }
0xc7: {  	(tm) =	ssettm $0x7FFFFFFF  }
tec
execute0_lowered:
.L_overlay_start_1:
0x0: {  	(tag) =	ssettag $0x1  }
0x1: {  	s0 =	rddreg [dreg:$0x0]  }
0x2: {  	s2 =	rddreg [dreg:$0x1]  }
0x3: {  	s4 =	rddreg [dreg:$0x2]  }
0x4: {  	s5 =	rddreg [dreg:$0x3]  }
0x5: {  	s1 =	rddreg [dreg:$0x4]  }
0x6: {  	s6 =	srdreg.scid;
	s3 =	simm.s32 $0x0;
	s11 =	stileid.u32  }
0x7: {  	s28 =	simm.s32 $0x9A00;
	s29 =	simm.s32 $0x400;
	s30 =	simm.s32 $0x20000  }
0x8: {  	s31 =	simm.s32 $0x3000;
	s6 =	sand.u32 $0x1, s6;
	[smem:$0x7FF] =	sst s3  }
0x9: {  	s9 =	smul.u32 $0xF428, s11;
	s10 =	sadd.s32 $0x400, s4;
	s4 =	sadd.s32 $0x1EE00, s4  }
0xa: {  	s7 =	ssub.s32 $0x2, s6;
	_ =	strace $0x80000047;
	[dreg:$0x6] =	wrdreg s4  }
0xb: {  	s6 =	sshll.u32 s6, $0x9;
	s8 =	sshrl.u32 s7, $0x1;
	s13 =	sadd.s32 $0x3200, s9  }
0xc: {  	s15 =	sadd.s32 s9, s1;
	s17 =	sadd.s32 $0x9600, s9;
	s4 =	ssub.s32 s7, s8  }
0xd: {  	s8 =	sshll.u32 s11, $0xA;
	s11 =	sshrl.u32 s9, $0x3;
	s14 =	sshrl.u32 s13, $0x3  }
0xe: {  	[dreg:$0x9] =	wrdreg s15;
	s18 =	sshrl.u32 s17, $0x3;
	s21 =	sadd.s32 s17, s1  }
0xf: {  	s7 =	sor.u32 s6, s8;
	s12 =	sadd.s32 s10, s11;
	[dreg:$0xf] =	wrdreg s21  }
0x10: {  	s11 =	sadd.s32 s10, s14;
	s8 =	sadd.s32 s13, s1;
	[dreg:$0x7] =	wrdreg s12  }
0x11: {  	s6 =	sadd.s32 s0, s7;
	s12 =	sadd.s32 $0x6400, s9;
	[dreg:$0x8] =	wrdreg s11  }
0x12: {  	s9 =	sadd.s32 $0xC800, s9;
	[dreg:$0xb] =	wrdreg s8;
	s8 =	sadd.s32 s10, s18  }
0x13: {  	s22 =	sor.u32 $0x80, s7;
	s23 =	sor.u32 $0x100, s7;
	s24 =	sor.u32 $0x180, s7  }
0x14: {  	s21 =	sadd.s32 s2, s7;
	s25 =	sshrl.u32 s7, $0x3;
	s7 =	simm.s32 $0x3200  }
0x15: {  	s16 =	sshrl.u32 s12, $0x3;
	s13 =	sshrl.u32 s9, $0x3;
	[dreg:$0xc] =	wrdreg s8  }
0x16: {  	s19 =	sadd.s32 s12, s1;
	s15 =	sadd.s32 s0, s22;
	s17 =	sadd.s32 s2, s22  }
0x17: {  	s18 =	sadd.s32 s0, s24;
	s26 =	sadd.s32 s9, s1;
	s8 =	simm.s32 $0x3400  }
0x18: {  	s9 =	simm.s32 $0x3;
	s12 =	simm.s32 $0x0;
	s11 =	sadd.s32 s10, s16  }
0x19: {  	[dreg:$0xd] =	wrdreg s19;
	s20 =	sadd.s32 s10, s13;
	s16 =	sadd.s32 s0, s23  }
0x1a: {  	s19 =	sadd.s32 s2, s23;
	[dreg:$0x10] =	wrdreg s26;
	s23 =	sadd.s32 s5, s25  }
0x1b: {  	s26 =	simm.s32 $0x6;
	s0 =	simm.s32 $0x5;
	s25 =	simm.s32 $0x6600  }
0x1c: {  	s5 =	simm.s32 $0x1;
	s10 =	simm.s32 $0x2;
	[dreg:$0xa] =	wrdreg s11  }
0x1d: {  	[dreg:$0xe] =	wrdreg s20;
	s20 =	sadd.s32 s2, s24;
	s24 =	smax.u32 s4, $0x1  }
0x1e: {  	s2 =	simm.s32 $0xCC00;
	s4 =	simm.s32 $0x9600;
	s11 =	simm.s32 $0x4  }
.LBB2_1:
0x1f: {  	s13 =	rddreg [dreg:$0x6];
	s14 =	simm.s32 $0x10000  }
0x20: {  	[tilespmem:s14], [sflag:$0x6] =	stream.linear.gather [hbm4b:s13+s3], $0x80, $0x38;
	[tilespmem:$0x1F4A8] =	vst v63  }
0x21: {  	_ =	swait.ge [sflag:s26], $0x80  }
0x22: {  	[sflag:s26] =	ssyncset.done $0x0  }
0x23: {  	s14 =	rddreg [dreg:$0x7];
	[sflag:s26] =	ssyncadd.s32 $0xFFFFFF80  }
0x24: {  	v0 =	vld [tilespmem:$0x10000];
	[tilespmem:s28], [sflag:$0x5] =	stream.linear.gather [hbm4b:s14+s3], $0x3200, $0x38  }
0x25: {  	_ = 	snop  }
0x26: {  	[tilespmem:s3], [sflag:$0x1] =	stream.strided.gather [hbm4b:s6+s29], $0x3000, s30, s29, $0x38;
	[tilespmem:$0x1F4A8] =	vst v63  }
0x27: {  	s22 =	sadd.s32 $0x30000, s6  }
0x28: {  	[tilespmem:s31], [sflag:$0x1] =	stream.linear.gather [hbm4b:s22+s3], $0x200, $0x38;
	[tilespmem:$0x1F4A8] =	vst v63  }
0x29: {  	_ =	swait.ge [sflag:s0], $0x3200  }
0x2a: {  	[sflag:s0] =	ssyncset.done $0x0  }
0x2b: {  	s14 =	rddreg [dreg:$0x8];
	[sflag:s0] =	ssyncadd.s32 $0xFFFFCE00  }
0x2c: {  	[tilespmem:s2], [sflag:$0x5] =	stream.linear.gather [hbm4b:s14+s3], $0x3200, $0x38;
	[tilespmem:$0x1F4A8] =	vst v63  }
0x2d: {  	s22 =	rddreg [dreg:$0x9]  }
0x2e: {  	[spmem:s22] =	stream.linear.scatter [tilespmem:s28], [sflag:$0x6], $0x3200, $0x38;
	[tilespmem:$0x1F4A8] =	vst v63  }
0x2f: {  	_ =	swait.ge [sflag:s26], $0x3200  }
0x30: {  	[sflag:s26] =	ssyncset.done $0x0  }
0x31: {  	[sflag:s26] =	ssyncadd.s32 $0xFFFFCE00  }
0x32: {  	_ =	swait.ge [sflag:s0], $0x3200  }
0x33: {  	[sflag:s0] =	ssyncset.done $0x0  }
0x34: {  	s14 =	rddreg [dreg:$0xa];
	[sflag:s0] =	ssyncadd.s32 $0xFFFFCE00  }
0x35: {  	[tilespmem:s28], [sflag:$0x5] =	stream.linear.gather [hbm4b:s14+s3], $0x3200, $0x38;
	[tilespmem:$0x1F4A8] =	vst v63  }
0x36: {  	s22 =	rddreg [dreg:$0xb]  }
0x37: {  	[spmem:s22] =	stream.linear.scatter [tilespmem:s2], [sflag:$0x6], $0x3200, $0x38;
	[tilespmem:$0x1F4A8] =	vst v63  }
0x38: {  	_ =	swait.ge [sflag:s26], $0x3200  }
0x39: {  	[sflag:s26] =	ssyncset.done $0x0  }
0x3a: {  	[sflag:s26] =	ssyncadd.s32 $0xFFFFCE00  }
0x3b: {  	_ =	swait.ge [sflag:s0], $0x3200  }
0x3c: {  	[sflag:s0] =	ssyncset.done $0x0  }
0x3d: {  	s14 =	rddreg [dreg:$0xc];
	[sflag:s0] =	ssyncadd.s32 $0xFFFFCE00  }
0x3e: {  	[tilespmem:s2], [sflag:$0x5] =	stream.linear.gather [hbm4b:s14+s3], $0x3200, $0x38;
	[tilespmem:$0x1F4A8] =	vst v63  }
0x3f: {  	s22 =	rddreg [dreg:$0xd]  }
0x40: {  	[spmem:s22] =	stream.linear.scatter [tilespmem:s28], [sflag:$0x6], $0x3200, $0x38;
	[tilespmem:$0x1F4A8] =	vst v63  }
0x41: {  	_ =	swait.ge [sflag:s26], $0x3200  }
0x42: {  	[sflag:s26] =	ssyncset.done $0x0  }
0x43: {  	[sflag:s26] =	ssyncadd.s32 $0xFFFFCE00  }
0x44: {  	_ =	swait.ge [sflag:s0], $0x3200  }
0x45: {  	[sflag:s0] =	ssyncset.done $0x0  }
0x46: {  	s14 =	rddreg [dreg:$0xe];
	[sflag:s0] =	ssyncadd.s32 $0xFFFFCE00  }
0x47: {  	[tilespmem:s28], [sflag:$0x5] =	stream.linear.gather [hbm4b:s14+s3], $0x2C28, $0x38;
	[tilespmem:$0x1F4A8] =	vst v63  }
0x48: {  	s22 =	rddreg [dreg:$0xf]  }
0x49: {  	[spmem:s22] =	stream.linear.scatter [tilespmem:s2], [sflag:$0x6], $0x3200, $0x38;
	[tilespmem:$0x1F4A8] =	vst v63  }
0x4a: {  	_ =	swait.ge [sflag:s26], $0x3200  }
0x4b: {  	[sflag:s26] =	ssyncset.done $0x0  }
0x4c: {  	[sflag:s26] =	ssyncadd.s32 $0xFFFFCE00  }
0x4d: {  	_ =	swait.ge [sflag:s0], $0x2C28  }
0x4e: {  	[sflag:s0] =	ssyncset.done $0x0  }
0x4f: {  	s14 =	rddreg [dreg:$0x10];
	[sflag:s0] =	ssyncadd.s32 $0xFFFFD3D8  }
0x50: {  	[spmem:s14] =	stream.linear.scatter [tilespmem:s28], [sflag:$0x6], $0x2C28, $0x38;
	[tilespmem:$0x1F4A8] =	vst v63  }
0x51: {  	_ =	swait.ge [sflag:s26], $0x2C28  }
0x52: {  	[sflag:s26] =	ssyncset.done $0x0  }
0x53: {  	[sflag:s26] =	ssyncadd.s32 $0xFFFFD3D8  }
0x54: {  	[tilespmem:s25], [sflag:$0x2] =	stream.strided.gather [hbm4b:s21+s29], $0x3000, s30, s29, $0x38;
	[tilespmem:$0x1F4A8] =	vst v63  }
0x55: {  	s22 =	sadd.s32 $0x30000, s21  }
0x56: {  	[tilespmem:s4], [sflag:$0x2] =	stream.linear.gather [hbm4b:s22+s3], $0x200, $0x38;
	[tilespmem:$0x1F4A8] =	vst v63  }
0x57: {  	_ =	swait.ge [sflag:s5], $0x3200  }
0x58: {  	[sflag:s5] =	ssyncset.done $0x0  }
0x59: {  	s13 =	simm.s32 $0x0;
	[sflag:s5] =	ssyncadd.s32 $0xFFFFCE00  }
0x5a: {  	v4 =	vld [tilespmem:s13+$0x70]  }
0x5b: {  	v5 =	vld [tilespmem:s13+$0x0]  }
0x5c: {  	v6 =	vld [tilespmem:s13+$0x10]  }
0x5d: {  	v3 =	vld [tilespmem:s13+$0x20]  }
0x5e: {  	v1 =	vld [tilespmem:s13+$0x30]  }
0x5f: {  	v2 =	vld [tilespmem:s13+$0x40];
	[tilespmem:s13+$0x3470] =	vst v4  }
0x60: {  	[tilespmem:s13+$0x3400] =	vst v5;
	v4 =	vld [tilespmem:s13+$0x50]  }
0x61: {  	s14 =	simm.s32 $0x80;
	s22 =	simm.s32 $0x400;
	[tilespmem:s13+$0x3410] =	vst v6;
	v5 =	vld [tilespmem:s13+$0x60]  }
.LBB2_2:
0x62: {  	p0 =	sne.s32 s22, $0xC600;
	v6 =	vld [tilespmem:s14+$0x70];
	[tilespmem:s13+$0x3420] =	vst v3  }
0x63: {  	v7 =	vld [tilespmem:s14+$0x0];
	[tilespmem:s13+$0x3430] =	vst v1  }
0x64: {  	v8 =	vld [tilespmem:s14+$0x10];
	[tilespmem:s13+$0x3440] =	vst v2  }
.Ltmp0:
0x65: {  	v3 =	vld [tilespmem:s14+$0x20];
	[tilespmem:s13+$0x3450] =	vst v4;
	(pc) =	sbr.rel @p0 .LBB2_2-.Ltmp0, $4  }
0x66: {  	v1 =	vld [tilespmem:s14+$0x30];
	[tilespmem:s13+$0x3460] =	vst v5;
	s13 =	smov.u32 s14  }
0x67: {  	v2 =	vld [tilespmem:s13+$0x40];
	[tilespmem:s13+$0x3470] =	vst v6  }
0x68: {  	[tilespmem:s13+$0x3400] =	vst v7;
	v4 =	vld [tilespmem:s13+$0x50]  }
0x69: {  	s14 =	sshra.s32 s22, $0x2;
	s22 =	sadd.s32 $0x200, s22;
	[tilespmem:s13+$0x3410] =	vst v8;
	v5 =	vld [tilespmem:s13+$0x60]  }
0x6a: {  	v6 =	vld [tilespmem:s14+$0x70];
	[tilespmem:s13+$0x3420] =	vst v3  }
0x6b: {  	v3 =	vld [tilespmem:s14+$0x0];
	[tilespmem:s13+$0x3430] =	vst v1  }
0x6c: {  	v1 =	vld [tilespmem:s14+$0x10];
	[tilespmem:s13+$0x3440] =	vst v2  }
0x6d: {  	v2 =	vld [tilespmem:s14+$0x20];
	[tilespmem:s13+$0x3450] =	vst v4  }
0x6e: {  	v4 =	vld [tilespmem:s14+$0x30];
	[tilespmem:s13+$0x3460] =	vst v5  }
0x6f: {  	v5 =	vld [tilespmem:s14+$0x40];
	[tilespmem:s14+$0x3470] =	vst v6  }
0x70: {  	[tilespmem:s14+$0x3400] =	vst v3;
	v3 =	vld [tilespmem:s14+$0x50]  }
0x71: {  	[tilespmem:s14+$0x3410] =	vst v1;
	v1 =	vld [tilespmem:s14+$0x60]  }
0x72: {  	[tilespmem:s14+$0x3420] =	vst v2  }
0x73: {  	[tilespmem:s14+$0x3430] =	vst v4  }
0x74: {  	[tilespmem:s14+$0x3440] =	vst v5  }
0x75: {  	[tilespmem:s14+$0x3450] =	vst v3  }
0x76: {  	[tilespmem:s14+$0x3460] =	vst v1;
	s14 =	simm.s32 $0x0  }
0x77: {  	[tilespmem:s14], [sflag:$0x1] =	stream.strided.gather [hbm4b:s15+s29], $0x3000, s30, s29, $0x38;
	[tilespmem:$0x1F4A8] =	vst v63  }
0x78: {  	s22 =	sadd.s32 $0x30000, s15  }
0x79: {  	[tilespmem:s31], [sflag:$0x1] =	stream.linear.gather [hbm4b:s22+s14], $0x200, $0x38;
	[tilespmem:$0x1F4A8] =	vst v63  }
0x7a: {  	[bflag:$0x0] =	sbarrier.arrive $0xFFFF  }
0x7b: {  	[tilespmem:s28], [sflag:$0x3] =	stream.indirect.gather [spmem:s1], $0x1, s8, s7, $0xb8;
	[tilespmem:$0x1F4A8] =	vst v63  }
0x7c: {  	_ =	swait.ge [sflag:s9], $0x3200  }
0x7d: {  	[sflag:s9] =	ssyncset.done $0x0  }
0x7e: {  	[sflag:s9] =	ssyncadd.s32 $0xFFFFCE00  }
0x7f: {  	_ =	swait.ge [sflag:s5], $0x3200  }
0x80: {  	[sflag:s5] =	ssyncset.done $0x0  }
0x81: {  	s13 =	simm.s32 $0x0;
	[sflag:s5] =	ssyncadd.s32 $0xFFFFCE00  }
0x82: {  	v4 =	vld [tilespmem:s13+$0x70]  }
0x83: {  	v5 =	vld [tilespmem:s13+$0x0]  }
0x84: {  	v6 =	vld [tilespmem:s13+$0x10]  }
0x85: {  	v3 =	vld [tilespmem:s13+$0x20]  }
0x86: {  	v1 =	vld [tilespmem:s13+$0x30]  }
0x87: {  	v2 =	vld [tilespmem:s13+$0x40];
	[tilespmem:s13+$0x3470] =	vst v4  }
0x88: {  	[tilespmem:s13+$0x3400] =	vst v5;
	v4 =	vld [tilespmem:s13+$0x50]  }
0x89: {  	s14 =	simm.s32 $0x80;
	s22 =	simm.s32 $0x400;
	[tilespmem:s13+$0x3410] =	vst v6;
	v5 =	vld [tilespmem:s13+$0x60]  }
.LBB2_4:
0x8a: {  	p0 =	sne.s32 s22, $0xC600;
	v6 =	vld [tilespmem:s14+$0x70];
	[tilespmem:s13+$0x3420] =	vst v3  }
0x8b: {  	v7 =	vld [tilespmem:s14+$0x0];
	[tilespmem:s13+$0x3430] =	vst v1  }
0x8c: {  	v8 =	vld [tilespmem:s14+$0x10];
	[tilespmem:s13+$0x3440] =	vst v2  }
.Ltmp1:
0x8d: {  	v3 =	vld [tilespmem:s14+$0x20];
	[tilespmem:s13+$0x3450] =	vst v4;
	(pc) =	sbr.rel @p0 .LBB2_4-.Ltmp1, $4  }
0x8e: {  	v1 =	vld [tilespmem:s14+$0x30];
	[tilespmem:s13+$0x3460] =	vst v5;
	s13 =	smov.u32 s14  }
0x8f: {  	v2 =	vld [tilespmem:s13+$0x40];
	[tilespmem:s13+$0x3470] =	vst v6  }
0x90: {  	[tilespmem:s13+$0x3400] =	vst v7;
	v4 =	vld [tilespmem:s13+$0x50]  }
0x91: {  	s14 =	sshra.s32 s22, $0x2;
	s22 =	sadd.s32 $0x200, s22;
	[tilespmem:s13+$0x3410] =	vst v8;
	v5 =	vld [tilespmem:s13+$0x60]  }
0x92: {  	v6 =	vld [tilespmem:s14+$0x70];
	[tilespmem:s13+$0x3420] =	vst v3  }
0x93: {  	v3 =	vld [tilespmem:s14+$0x0];
	[tilespmem:s13+$0x3430] =	vst v1  }
0x94: {  	v1 =	vld [tilespmem:s14+$0x10];
	[tilespmem:s13+$0x3440] =	vst v2  }
0x95: {  	v2 =	vld [tilespmem:s14+$0x20];
	[tilespmem:s13+$0x3450] =	vst v4  }
0x96: {  	v4 =	vld [tilespmem:s14+$0x30];
	[tilespmem:s13+$0x3460] =	vst v5  }
0x97: {  	v5 =	vld [tilespmem:s14+$0x40];
	[tilespmem:s14+$0x3470] =	vst v6  }
0x98: {  	[tilespmem:s14+$0x3400] =	vst v3;
	v3 =	vld [tilespmem:s14+$0x50]  }
0x99: {  	[tilespmem:s14+$0x3410] =	vst v1;
	v1 =	vld [tilespmem:s14+$0x60]  }
0x9a: {  	[tilespmem:s14+$0x3420] =	vst v2  }
0x9b: {  	[tilespmem:s14+$0x3430] =	vst v4  }
0x9c: {  	[tilespmem:s14+$0x3440] =	vst v5  }
0x9d: {  	[tilespmem:s14+$0x3450] =	vst v3  }
0x9e: {  	[tilespmem:s14+$0x3460] =	vst v1  }
0x9f: {  	[tilespmem:s2], [sflag:$0x4] =	stream.indirect.gather [spmem:s1], $0x1, s8, s7, $0xb8;
	[tilespmem:$0x1F4A8] =	vst v63  }
0xa0: {  	s14 =	simm.s32 $0x0  }
0xa1: {  	[tilespmem:s14], [sflag:$0x1] =	stream.strided.gather [hbm4b:s16+s29], $0x3000, s30, s29, $0x38;
	[tilespmem:$0x1F4A8] =	vst v63  }
0xa2: {  	s22 =	sadd.s32 $0x30000, s16  }
0xa3: {  	[tilespmem:s31], [sflag:$0x1] =	stream.linear.gather [hbm4b:s22+s14], $0x200, $0x38;
	[tilespmem:$0x1F4A8] =	vst v63  }
0xa4: {  	_ =	swait.ge [sflag:s10], $0x3200  }
0xa5: {  	[sflag:s10] =	ssyncset.done $0x0  }
0xa6: {  	s22 =	simm.s32 $0x0;
	[sflag:s10] =	ssyncadd.s32 $0xFFFFCE00  }
0xa7: {  	v2 =	vld [tilespmem:s22+$0x9A00]  }
0xa8: {  	s13 =	simm.s32 $0x200;
	v1 =	vimm.f32 $0.0e+00;
	v3 =	vld [tilespmem:s22+$0x6600]  }
.LBB2_6:
0xa9: {  	_ = 	snop  }
0xaa: {  	p0 =	sne.s32 s13, $0xC600  }
.Ltmp2:
0xab: {  	_ = 	snop;
	(pc) =	sbr.rel @p0 .LBB2_6-.Ltmp2, $4  }
0xac: {  	_ = 	snop  }
0xad: {  	s14 =	sshra.s32 s13, $0x2;
	v4 =	vmul.f32 v3, v2  }
0xae: {  	v2 =	vld [tilespmem:s14+$0x9A00]  }
0xaf: {  	s13 =	sadd.s32 $0x200, s13;
	v3 =	vld [tilespmem:s14+$0x6600];
	v1 =	vadd.f32 v4, v1  }
0xb0: {  	_ =	sdelay $0x3  }
0xb1: {  	v2 =	vmul.f32 v3, v2;
	_ =	sdelay $0x1  }
0xb2: {  	v1 =	vadd.f32 v2, v1;
	_ =	sdelay $0x1  }
0xb3: {  	v1 =	vadd.f32 v1, v0;
	_ =	sdelay $0x1  }
0xb4: {  	s14 =	simm.s32 $0x10;
	[tilespmem:$0xFE00] =	vst v1  }
0xb5: {  	v2 =	vld [tilespmem:s14+$0x9A00]  }
0xb6: {  	s13 =	simm.s32 $0x240;
	v1 =	vimm.f32 $0.0e+00;
	v3 =	vld [tilespmem:s14+$0x6600]  }
.LBB2_8:
0xb7: {  	_ = 	snop  }
0xb8: {  	p0 =	sne.s32 s13, $0xC640  }
.Ltmp3:
0xb9: {  	_ = 	snop;
	(pc) =	sbr.rel @p0 .LBB2_8-.Ltmp3, $4  }
0xba: {  	_ = 	snop  }
0xbb: {  	s14 =	sshra.s32 s13, $0x2;
	v4 =	vmul.f32 v3, v2  }
0xbc: {  	v2 =	vld [tilespmem:s14+$0x9A00]  }
0xbd: {  	s13 =	sadd.s32 $0x200, s13;
	v3 =	vld [tilespmem:s14+$0x6600];
	v1 =	vadd.f32 v4, v1  }
0xbe: {  	_ =	sdelay $0x3  }
0xbf: {  	v2 =	vmul.f32 v3, v2;
	_ =	sdelay $0x1  }
0xc0: {  	v1 =	vadd.f32 v2, v1;
	_ =	sdelay $0x1  }
0xc1: {  	v1 =	vadd.f32 v1, v0;
	_ =	sdelay $0x1  }
0xc2: {  	s14 =	simm.s32 $0x20;
	[tilespmem:$0xFE10] =	vst v1  }
0xc3: {  	v2 =	vld [tilespmem:s14+$0x9A00]  }
0xc4: {  	s13 =	simm.s32 $0x280;
	v1 =	vimm.f32 $0.0e+00;
	v3 =	vld [tilespmem:s14+$0x6600]  }
.LBB2_10:
0xc5: {  	_ = 	snop  }
0xc6: {  	p0 =	sne.s32 s13, $0xC680  }
.Ltmp4:
0xc7: {  	_ = 	snop;
	(pc) =	sbr.rel @p0 .LBB2_10-.Ltmp4, $4  }
0xc8: {  	_ = 	snop  }
0xc9: {  	s14 =	sshra.s32 s13, $0x2;
	v4 =	vmul.f32 v3, v2  }
0xca: {  	v2 =	vld [tilespmem:s14+$0x9A00]  }
0xcb: {  	s13 =	sadd.s32 $0x200, s13;
	v3 =	vld [tilespmem:s14+$0x6600];
	v1 =	vadd.f32 v4, v1  }
0xcc: {  	_ =	sdelay $0x3  }
0xcd: {  	v2 =	vmul.f32 v3, v2;
	_ =	sdelay $0x1  }
0xce: {  	v1 =	vadd.f32 v2, v1;
	_ =	sdelay $0x1  }
0xcf: {  	v1 =	vadd.f32 v1, v0;
	_ =	sdelay $0x1  }
0xd0: {  	s14 =	simm.s32 $0x30;
	[tilespmem:$0xFE20] =	vst v1  }
0xd1: {  	v2 =	vld [tilespmem:s14+$0x9A00]  }
0xd2: {  	s13 =	simm.s32 $0x2C0;
	v1 =	vimm.f32 $0.0e+00;
	v3 =	vld [tilespmem:s14+$0x6600]  }
.LBB2_12:
0xd3: {  	_ = 	snop  }
0xd4: {  	p0 =	sne.s32 s13, $0xC6C0  }
.Ltmp5:
0xd5: {  	_ = 	snop;
	(pc) =	sbr.rel @p0 .LBB2_12-.Ltmp5, $4  }
0xd6: {  	_ = 	snop  }
0xd7: {  	s14 =	sshra.s32 s13, $0x2;
	v4 =	vmul.f32 v3, v2  }
0xd8: {  	v2 =	vld [tilespmem:s14+$0x9A00]  }
0xd9: {  	s13 =	sadd.s32 $0x200, s13;
	v3 =	vld [tilespmem:s14+$0x6600];
	v1 =	vadd.f32 v4, v1  }
0xda: {  	_ =	sdelay $0x3  }
0xdb: {  	v2 =	vmul.f32 v3, v2;
	_ =	sdelay $0x1  }
0xdc: {  	v1 =	vadd.f32 v2, v1;
	_ =	sdelay $0x1  }
0xdd: {  	v1 =	vadd.f32 v1, v0;
	_ =	sdelay $0x1  }
0xde: {  	s14 =	simm.s32 $0x40;
	[tilespmem:$0xFE30] =	vst v1  }
0xdf: {  	v2 =	vld [tilespmem:s14+$0x9A00]  }
0xe0: {  	s13 =	simm.s32 $0x300;
	v1 =	vimm.f32 $0.0e+00;
	v3 =	vld [tilespmem:s14+$0x6600]  }
.LBB2_14:
0xe1: {  	_ = 	snop  }
0xe2: {  	p0 =	sne.s32 s13, $0xC700  }
.Ltmp6:
0xe3: {  	_ = 	snop;
	(pc) =	sbr.rel @p0 .LBB2_14-.Ltmp6, $4  }
0xe4: {  	_ = 	snop  }
0xe5: {  	s14 =	sshra.s32 s13, $0x2;
	v4 =	vmul.f32 v3, v2  }
0xe6: {  	v2 =	vld [tilespmem:s14+$0x9A00]  }
0xe7: {  	s13 =	sadd.s32 $0x200, s13;
	v3 =	vld [tilespmem:s14+$0x6600];
	v1 =	vadd.f32 v4, v1  }
0xe8: {  	_ =	sdelay $0x3  }
0xe9: {  	v2 =	vmul.f32 v3, v2;
	_ =	sdelay $0x1  }
0xea: {  	v1 =	vadd.f32 v2, v1;
	_ =	sdelay $0x1  }
0xeb: {  	v1 =	vadd.f32 v1, v0;
	_ =	sdelay $0x1  }
0xec: {  	s14 =	simm.s32 $0x50;
	[tilespmem:$0xFE40] =	vst v1  }
0xed: {  	v2 =	vld [tilespmem:s14+$0x9A00]  }
0xee: {  	s13 =	simm.s32 $0x340;
	v1 =	vimm.f32 $0.0e+00;
	v3 =	vld [tilespmem:s14+$0x6600]  }
.LBB2_16:
0xef: {  	_ = 	snop  }
0xf0: {  	p0 =	sne.s32 s13, $0xC740  }
.Ltmp7:
0xf1: {  	_ = 	snop;
	(pc) =	sbr.rel @p0 .LBB2_16-.Ltmp7, $4  }
0xf2: {  	_ = 	snop  }
0xf3: {  	s14 =	sshra.s32 s13, $0x2;
	v4 =	vmul.f32 v3, v2  }
0xf4: {  	v2 =	vld [tilespmem:s14+$0x9A00]  }
0xf5: {  	s13 =	sadd.s32 $0x200, s13;
	v3 =	vld [tilespmem:s14+$0x6600];
	v1 =	vadd.f32 v4, v1  }
0xf6: {  	_ =	sdelay $0x3  }
0xf7: {  	v2 =	vmul.f32 v3, v2;
	_ =	sdelay $0x1  }
0xf8: {  	v1 =	vadd.f32 v2, v1;
	_ =	sdelay $0x1  }
0xf9: {  	v1 =	vadd.f32 v1, v0;
	_ =	sdelay $0x1  }
0xfa: {  	s14 =	simm.s32 $0x60;
	[tilespmem:$0xFE50] =	vst v1  }
0xfb: {  	v2 =	vld [tilespmem:s14+$0x9A00]  }
0xfc: {  	s13 =	simm.s32 $0x380;
	v1 =	vimm.f32 $0.0e+00;
	v3 =	vld [tilespmem:s14+$0x6600]  }
.LBB2_18:
0xfd: {  	_ = 	snop  }
0xfe: {  	p0 =	sne.s32 s13, $0xC780  }
.Ltmp8:
0xff: {  	_ = 	snop;
	(pc) =	sbr.rel @p0 .LBB2_18-.Ltmp8, $4  }
0x100: {  	_ = 	snop  }
0x101: {  	s14 =	sshra.s32 s13, $0x2;
	v4 =	vmul.f32 v3, v2  }
0x102: {  	v2 =	vld [tilespmem:s14+$0x9A00]  }
0x103: {  	s13 =	sadd.s32 $0x200, s13;
	v3 =	vld [tilespmem:s14+$0x6600];
	v1 =	vadd.f32 v4, v1  }
0x104: {  	_ =	sdelay $0x3  }
0x105: {  	v2 =	vmul.f32 v3, v2;
	_ =	sdelay $0x1  }
0x106: {  	v1 =	vadd.f32 v2, v1;
	_ =	sdelay $0x1  }
0x107: {  	v1 =	vadd.f32 v1, v0;
	_ =	sdelay $0x1  }
0x108: {  	s14 =	simm.s32 $0x70;
	[tilespmem:$0xFE60] =	vst v1  }
0x109: {  	v2 =	vld [tilespmem:s14+$0x9A00]  }
0x10a: {  	s13 =	simm.s32 $0x3C0;
	v1 =	vimm.f32 $0.0e+00;
	v3 =	vld [tilespmem:s14+$0x6600]  }
.LBB2_20:
0x10b: {  	_ = 	snop  }
0x10c: {  	p0 =	sne.s32 s13, $0xC7C0  }
.Ltmp9:
0x10d: {  	_ = 	snop;
	(pc) =	sbr.rel @p0 .LBB2_20-.Ltmp9, $4  }
0x10e: {  	_ = 	snop  }
0x10f: {  	s14 =	sshra.s32 s13, $0x2;
	v4 =	vmul.f32 v3, v2  }
0x110: {  	v2 =	vld [tilespmem:s14+$0x9A00]  }
0x111: {  	s13 =	sadd.s32 $0x200, s13;
	v3 =	vld [tilespmem:s14+$0x6600];
	v1 =	vadd.f32 v4, v1  }
0x112: {  	_ =	sdelay $0x3  }
0x113: {  	v2 =	vmul.f32 v3, v2;
	_ =	sdelay $0x1  }
0x114: {  	v1 =	vadd.f32 v2, v1;
	_ =	sdelay $0x1  }
0x115: {  	v1 =	vadd.f32 v1, v0;
	_ =	sdelay $0x1  }
0x116: {  	[tilespmem:$0xFE70] =	vst v1  }
0x117: {  	[tilespmem:s25], [sflag:$0x2] =	stream.strided.gather [hbm4b:s17+s29], $0x3000, s30, s29, $0x38;
	[tilespmem:$0x1F4A8] =	vst v63  }
0x118: {  	s13 =	sadd.s32 $0x30000, s17;
	s14 =	simm.s32 $0x0  }
0x119: {  	[tilespmem:s4], [sflag:$0x2] =	stream.linear.gather [hbm4b:s13+s14], $0x200, $0x38;
	[tilespmem:$0x1F4A8] =	vst v63  }
0x11a: {  	_ =	swait.ge [sflag:s11], $0x3200  }
0x11b: {  	[sflag:s11] =	ssyncset.done $0x0  }
0x11c: {  	[sflag:s11] =	ssyncadd.s32 $0xFFFFCE00  }
0x11d: {  	_ =	swait.ge [sflag:s5], $0x3200  }
0x11e: {  	[sflag:s5] =	ssyncset.done $0x0  }
0x11f: {  	s13 =	simm.s32 $0x0;
	[sflag:s5] =	ssyncadd.s32 $0xFFFFCE00  }
0x120: {  	v4 =	vld [tilespmem:s13+$0x70]  }
0x121: {  	v5 =	vld [tilespmem:s13+$0x0]  }
0x122: {  	v6 =	vld [tilespmem:s13+$0x10]  }
0x123: {  	v3 =	vld [tilespmem:s13+$0x20]  }
0x124: {  	v1 =	vld [tilespmem:s13+$0x30]  }
0x125: {  	v2 =	vld [tilespmem:s13+$0x40];
	[tilespmem:s13+$0x3470] =	vst v4  }
0x126: {  	[tilespmem:s13+$0x3400] =	vst v5;
	v4 =	vld [tilespmem:s13+$0x50]  }
0x127: {  	s22 =	simm.s32 $0x400;
	s14 =	simm.s32 $0x80;
	[tilespmem:s13+$0x3410] =	vst v6;
	v5 =	vld [tilespmem:s13+$0x60]  }
.LBB2_22:
0x128: {  	p0 =	sne.s32 s22, $0xC600;
	v6 =	vld [tilespmem:s14+$0x70];
	[tilespmem:s13+$0x3420] =	vst v3  }
0x129: {  	v7 =	vld [tilespmem:s14+$0x0];
	[tilespmem:s13+$0x3430] =	vst v1  }
0x12a: {  	v8 =	vld [tilespmem:s14+$0x10];
	[tilespmem:s13+$0x3440] =	vst v2  }
.Ltmp10:
0x12b: {  	v3 =	vld [tilespmem:s14+$0x20];
	[tilespmem:s13+$0x3450] =	vst v4;
	(pc) =	sbr.rel @p0 .LBB2_22-.Ltmp10, $4  }
0x12c: {  	v1 =	vld [tilespmem:s14+$0x30];
	[tilespmem:s13+$0x3460] =	vst v5;
	s13 =	smov.u32 s14  }
0x12d: {  	v2 =	vld [tilespmem:s13+$0x40];
	[tilespmem:s13+$0x3470] =	vst v6  }
0x12e: {  	[tilespmem:s13+$0x3400] =	vst v7;
	v4 =	vld [tilespmem:s13+$0x50]  }
0x12f: {  	s14 =	sshra.s32 s22, $0x2;
	s22 =	sadd.s32 $0x200, s22;
	[tilespmem:s13+$0x3410] =	vst v8;
	v5 =	vld [tilespmem:s13+$0x60]  }
0x130: {  	v6 =	vld [tilespmem:s14+$0x70];
	[tilespmem:s13+$0x3420] =	vst v3  }
0x131: {  	v3 =	vld [tilespmem:s14+$0x0];
	[tilespmem:s13+$0x3430] =	vst v1  }
0x132: {  	v1 =	vld [tilespmem:s14+$0x10];
	[tilespmem:s13+$0x3440] =	vst v2  }
0x133: {  	v2 =	vld [tilespmem:s14+$0x20];
	[tilespmem:s13+$0x3450] =	vst v4  }
0x134: {  	v4 =	vld [tilespmem:s14+$0x30];
	[tilespmem:s13+$0x3460] =	vst v5  }
0x135: {  	v5 =	vld [tilespmem:s14+$0x40];
	[tilespmem:s14+$0x3470] =	vst v6  }
0x136: {  	[tilespmem:s14+$0x3400] =	vst v3;
	v3 =	vld [tilespmem:s14+$0x50]  }
0x137: {  	[tilespmem:s14+$0x3410] =	vst v1;
	v1 =	vld [tilespmem:s14+$0x60]  }
0x138: {  	[tilespmem:s14+$0x3420] =	vst v2  }
0x139: {  	[tilespmem:s14+$0x3430] =	vst v4  }
0x13a: {  	[tilespmem:s14+$0x3440] =	vst v5  }
0x13b: {  	[tilespmem:s14+$0x3450] =	vst v3  }
0x13c: {  	[tilespmem:s14+$0x3460] =	vst v1  }
0x13d: {  	[tilespmem:s28], [sflag:$0x3] =	stream.indirect.gather [spmem:s1], $0x1, s8, s7, $0xb8;
	[tilespmem:$0x1F4A8] =	vst v63  }
0x13e: {  	s14 =	simm.s32 $0x0  }
0x13f: {  	[tilespmem:s14], [sflag:$0x1] =	stream.strided.gather [hbm4b:s18+s29], $0x3000, s30, s29, $0x38;
	[tilespmem:$0x1F4A8] =	vst v63  }
0x140: {  	s22 =	sadd.s32 $0x30000, s18  }
0x141: {  	[tilespmem:s31], [sflag:$0x1] =	stream.linear.gather [hbm4b:s22+s14], $0x200, $0x38;
	[tilespmem:$0x1F4A8] =	vst v63  }
0x142: {  	_ =	swait.ge [sflag:s10], $0x3200  }
0x143: {  	[sflag:s10] =	ssyncset.done $0x0  }
0x144: {  	s22 =	simm.s32 $0x0;
	[sflag:s10] =	ssyncadd.s32 $0xFFFFCE00  }
0x145: {  	v2 =	vld [tilespmem:s22+$0xCC00]  }
0x146: {  	s13 =	simm.s32 $0x200;
	v1 =	vimm.f32 $0.0e+00;
	v3 =	vld [tilespmem:s22+$0x6600]  }
.LBB2_24:
0x147: {  	_ = 	snop  }
0x148: {  	p0 =	sne.s32 s13, $0xC600  }
.Ltmp11:
0x149: {  	_ = 	snop;
	(pc) =	sbr.rel @p0 .LBB2_24-.Ltmp11, $4  }
0x14a: {  	_ = 	snop  }
0x14b: {  	s14 =	sshra.s32 s13, $0x2;
	v4 =	vmul.f32 v3, v2  }
0x14c: {  	v2 =	vld [tilespmem:s14+$0xCC00]  }
0x14d: {  	s13 =	sadd.s32 $0x200, s13;
	v3 =	vld [tilespmem:s14+$0x6600];
	v1 =	vadd.f32 v4, v1  }
0x14e: {  	_ =	sdelay $0x3  }
0x14f: {  	v2 =	vmul.f32 v3, v2;
	_ =	sdelay $0x1  }
0x150: {  	v1 =	vadd.f32 v2, v1;
	_ =	sdelay $0x1  }
0x151: {  	v1 =	vadd.f32 v1, v0;
	_ =	sdelay $0x1  }
0x152: {  	s14 =	simm.s32 $0x10;
	[tilespmem:$0xFE80] =	vst v1  }
0x153: {  	v2 =	vld [tilespmem:s14+$0xCC00]  }
0x154: {  	s13 =	simm.s32 $0x240;
	v1 =	vimm.f32 $0.0e+00;
	v3 =	vld [tilespmem:s14+$0x6600]  }
.LBB2_26:
0x155: {  	_ = 	snop  }
0x156: {  	p0 =	sne.s32 s13, $0xC640  }
.Ltmp12:
0x157: {  	_ = 	snop;
	(pc) =	sbr.rel @p0 .LBB2_26-.Ltmp12, $4  }
0x158: {  	_ = 	snop  }
0x159: {  	s14 =	sshra.s32 s13, $0x2;
	v4 =	vmul.f32 v3, v2  }
0x15a: {  	v2 =	vld [tilespmem:s14+$0xCC00]  }
0x15b: {  	s13 =	sadd.s32 $0x200, s13;
	v3 =	vld [tilespmem:s14+$0x6600];
	v1 =	vadd.f32 v4, v1  }
0x15c: {  	_ =	sdelay $0x3  }
0x15d: {  	v2 =	vmul.f32 v3, v2;
	_ =	sdelay $0x1  }
0x15e: {  	v1 =	vadd.f32 v2, v1;
	_ =	sdelay $0x1  }
0x15f: {  	v1 =	vadd.f32 v1, v0;
	_ =	sdelay $0x1  }
0x160: {  	s14 =	simm.s32 $0x20;
	[tilespmem:$0xFE90] =	vst v1  }
0x161: {  	v2 =	vld [tilespmem:s14+$0xCC00]  }
0x162: {  	s13 =	simm.s32 $0x280;
	v1 =	vimm.f32 $0.0e+00;
	v3 =	vld [tilespmem:s14+$0x6600]  }
.LBB2_28:
0x163: {  	_ = 	snop  }
0x164: {  	p0 =	sne.s32 s13, $0xC680  }
.Ltmp13:
0x165: {  	_ = 	snop;
	(pc) =	sbr.rel @p0 .LBB2_28-.Ltmp13, $4  }
0x166: {  	_ = 	snop  }
0x167: {  	s14 =	sshra.s32 s13, $0x2;
	v4 =	vmul.f32 v3, v2  }
0x168: {  	v2 =	vld [tilespmem:s14+$0xCC00]  }
0x169: {  	s13 =	sadd.s32 $0x200, s13;
	v3 =	vld [tilespmem:s14+$0x6600];
	v1 =	vadd.f32 v4, v1  }
0x16a: {  	_ =	sdelay $0x3  }
0x16b: {  	v2 =	vmul.f32 v3, v2;
	_ =	sdelay $0x1  }
0x16c: {  	v1 =	vadd.f32 v2, v1;
	_ =	sdelay $0x1  }
0x16d: {  	v1 =	vadd.f32 v1, v0;
	_ =	sdelay $0x1  }
0x16e: {  	s14 =	simm.s32 $0x30;
	[tilespmem:$0xFEA0] =	vst v1  }
0x16f: {  	v2 =	vld [tilespmem:s14+$0xCC00]  }
0x170: {  	s13 =	simm.s32 $0x2C0;
	v1 =	vimm.f32 $0.0e+00;
	v3 =	vld [tilespmem:s14+$0x6600]  }
.LBB2_30:
0x171: {  	_ = 	snop  }
0x172: {  	p0 =	sne.s32 s13, $0xC6C0  }
.Ltmp14:
0x173: {  	_ = 	snop;
	(pc) =	sbr.rel @p0 .LBB2_30-.Ltmp14, $4  }
0x174: {  	_ = 	snop  }
0x175: {  	s14 =	sshra.s32 s13, $0x2;
	v4 =	vmul.f32 v3, v2  }
0x176: {  	v2 =	vld [tilespmem:s14+$0xCC00]  }
0x177: {  	s13 =	sadd.s32 $0x200, s13;
	v3 =	vld [tilespmem:s14+$0x6600];
	v1 =	vadd.f32 v4, v1  }
0x178: {  	_ =	sdelay $0x3  }
0x179: {  	v2 =	vmul.f32 v3, v2;
	_ =	sdelay $0x1  }
0x17a: {  	v1 =	vadd.f32 v2, v1;
	_ =	sdelay $0x1  }
0x17b: {  	v1 =	vadd.f32 v1, v0;
	_ =	sdelay $0x1  }
0x17c: {  	s14 =	simm.s32 $0x40;
	[tilespmem:$0xFEB0] =	vst v1  }
0x17d: {  	v2 =	vld [tilespmem:s14+$0xCC00]  }
0x17e: {  	s13 =	simm.s32 $0x300;
	v1 =	vimm.f32 $0.0e+00;
	v3 =	vld [tilespmem:s14+$0x6600]  }
.LBB2_32:
0x17f: {  	_ = 	snop  }
0x180: {  	p0 =	sne.s32 s13, $0xC700  }
.Ltmp15:
0x181: {  	_ = 	snop;
	(pc) =	sbr.rel @p0 .LBB2_32-.Ltmp15, $4  }
0x182: {  	_ = 	snop  }
0x183: {  	s14 =	sshra.s32 s13, $0x2;
	v4 =	vmul.f32 v3, v2  }
0x184: {  	v2 =	vld [tilespmem:s14+$0xCC00]  }
0x185: {  	s13 =	sadd.s32 $0x200, s13;
	v3 =	vld [tilespmem:s14+$0x6600];
	v1 =	vadd.f32 v4, v1  }
0x186: {  	_ =	sdelay $0x3  }
0x187: {  	v2 =	vmul.f32 v3, v2;
	_ =	sdelay $0x1  }
0x188: {  	v1 =	vadd.f32 v2, v1;
	_ =	sdelay $0x1  }
0x189: {  	v1 =	vadd.f32 v1, v0;
	_ =	sdelay $0x1  }
0x18a: {  	s14 =	simm.s32 $0x50;
	[tilespmem:$0xFEC0] =	vst v1  }
0x18b: {  	v2 =	vld [tilespmem:s14+$0xCC00]  }
0x18c: {  	s13 =	simm.s32 $0x340;
	v1 =	vimm.f32 $0.0e+00;
	v3 =	vld [tilespmem:s14+$0x6600]  }
.LBB2_34:
0x18d: {  	_ = 	snop  }
0x18e: {  	p0 =	sne.s32 s13, $0xC740  }
.Ltmp16:
0x18f: {  	_ = 	snop;
	(pc) =	sbr.rel @p0 .LBB2_34-.Ltmp16, $4  }
0x190: {  	_ = 	snop  }
0x191: {  	s14 =	sshra.s32 s13, $0x2;
	v4 =	vmul.f32 v3, v2  }
0x192: {  	v2 =	vld [tilespmem:s14+$0xCC00]  }
0x193: {  	s13 =	sadd.s32 $0x200, s13;
	v3 =	vld [tilespmem:s14+$0x6600];
	v1 =	vadd.f32 v4, v1  }
0x194: {  	_ =	sdelay $0x3  }
0x195: {  	v2 =	vmul.f32 v3, v2;
	_ =	sdelay $0x1  }
0x196: {  	v1 =	vadd.f32 v2, v1;
	_ =	sdelay $0x1  }
0x197: {  	v1 =	vadd.f32 v1, v0;
	_ =	sdelay $0x1  }
0x198: {  	s14 =	simm.s32 $0x60;
	[tilespmem:$0xFED0] =	vst v1  }
0x199: {  	v2 =	vld [tilespmem:s14+$0xCC00]  }
0x19a: {  	s13 =	simm.s32 $0x380;
	v1 =	vimm.f32 $0.0e+00;
	v3 =	vld [tilespmem:s14+$0x6600]  }
.LBB2_36:
0x19b: {  	_ = 	snop  }
0x19c: {  	p0 =	sne.s32 s13, $0xC780  }
.Ltmp17:
0x19d: {  	_ = 	snop;
	(pc) =	sbr.rel @p0 .LBB2_36-.Ltmp17, $4  }
0x19e: {  	_ = 	snop  }
0x19f: {  	s14 =	sshra.s32 s13, $0x2;
	v4 =	vmul.f32 v3, v2  }
0x1a0: {  	v2 =	vld [tilespmem:s14+$0xCC00]  }
0x1a1: {  	s13 =	sadd.s32 $0x200, s13;
	v3 =	vld [tilespmem:s14+$0x6600];
	v1 =	vadd.f32 v4, v1  }
0x1a2: {  	_ =	sdelay $0x3  }
0x1a3: {  	v2 =	vmul.f32 v3, v2;
	_ =	sdelay $0x1  }
0x1a4: {  	v1 =	vadd.f32 v2, v1;
	_ =	sdelay $0x1  }
0x1a5: {  	v1 =	vadd.f32 v1, v0;
	_ =	sdelay $0x1  }
0x1a6: {  	s14 =	simm.s32 $0x70;
	[tilespmem:$0xFEE0] =	vst v1  }
0x1a7: {  	v2 =	vld [tilespmem:s14+$0xCC00]  }
0x1a8: {  	s13 =	simm.s32 $0x3C0;
	v1 =	vimm.f32 $0.0e+00;
	v3 =	vld [tilespmem:s14+$0x6600]  }
.LBB2_38:
0x1a9: {  	_ = 	snop  }
0x1aa: {  	p0 =	sne.s32 s13, $0xC7C0  }
.Ltmp18:
0x1ab: {  	_ = 	snop;
	(pc) =	sbr.rel @p0 .LBB2_38-.Ltmp18, $4  }
0x1ac: {  	_ = 	snop  }
0x1ad: {  	s14 =	sshra.s32 s13, $0x2;
	v4 =	vmul.f32 v3, v2  }
0x1ae: {  	v2 =	vld [tilespmem:s14+$0xCC00]  }
0x1af: {  	s13 =	sadd.s32 $0x200, s13;
	v3 =	vld [tilespmem:s14+$0x6600];
	v1 =	vadd.f32 v4, v1  }
0x1b0: {  	_ =	sdelay $0x3  }
0x1b1: {  	v2 =	vmul.f32 v3, v2;
	_ =	sdelay $0x1  }
0x1b2: {  	v1 =	vadd.f32 v2, v1;
	_ =	sdelay $0x1  }
0x1b3: {  	v1 =	vadd.f32 v1, v0;
	_ =	sdelay $0x1  }
0x1b4: {  	[tilespmem:$0xFEF0] =	vst v1  }
0x1b5: {  	[tilespmem:s25], [sflag:$0x2] =	stream.strided.gather [hbm4b:s19+s29], $0x3000, s30, s29, $0x38;
	[tilespmem:$0x1F4A8] =	vst v63  }
0x1b6: {  	s13 =	sadd.s32 $0x30000, s19;
	s14 =	simm.s32 $0x0  }
0x1b7: {  	[tilespmem:s4], [sflag:$0x2] =	stream.linear.gather [hbm4b:s13+s14], $0x200, $0x38;
	[tilespmem:$0x1F4A8] =	vst v63  }
0x1b8: {  	_ =	swait.ge [sflag:s9], $0x3200  }
0x1b9: {  	[sflag:s9] =	ssyncset.done $0x0  }
0x1ba: {  	[sflag:s9] =	ssyncadd.s32 $0xFFFFCE00  }
0x1bb: {  	_ =	swait.ge [sflag:s5], $0x3200  }
0x1bc: {  	[sflag:s5] =	ssyncset.done $0x0  }
0x1bd: {  	s13 =	simm.s32 $0x0;
	[sflag:s5] =	ssyncadd.s32 $0xFFFFCE00  }
0x1be: {  	v4 =	vld [tilespmem:s13+$0x70]  }
0x1bf: {  	v5 =	vld [tilespmem:s13+$0x0]  }
0x1c0: {  	v6 =	vld [tilespmem:s13+$0x10]  }
0x1c1: {  	v3 =	vld [tilespmem:s13+$0x20]  }
0x1c2: {  	v1 =	vld [tilespmem:s13+$0x30]  }
0x1c3: {  	v2 =	vld [tilespmem:s13+$0x40];
	[tilespmem:s13+$0x3470] =	vst v4  }
0x1c4: {  	[tilespmem:s13+$0x3400] =	vst v5;
	v4 =	vld [tilespmem:s13+$0x50]  }
0x1c5: {  	s22 =	simm.s32 $0x400;
	s14 =	simm.s32 $0x80;
	[tilespmem:s13+$0x3410] =	vst v6;
	v5 =	vld [tilespmem:s13+$0x60]  }
.LBB2_40:
0x1c6: {  	p0 =	sne.s32 s22, $0xC600;
	v6 =	vld [tilespmem:s14+$0x70];
	[tilespmem:s13+$0x3420] =	vst v3  }
0x1c7: {  	v7 =	vld [tilespmem:s14+$0x0];
	[tilespmem:s13+$0x3430] =	vst v1  }
0x1c8: {  	v8 =	vld [tilespmem:s14+$0x10];
	[tilespmem:s13+$0x3440] =	vst v2  }
.Ltmp19:
0x1c9: {  	v3 =	vld [tilespmem:s14+$0x20];
	[tilespmem:s13+$0x3450] =	vst v4;
	(pc) =	sbr.rel @p0 .LBB2_40-.Ltmp19, $4  }
0x1ca: {  	v1 =	vld [tilespmem:s14+$0x30];
	[tilespmem:s13+$0x3460] =	vst v5;
	s13 =	smov.u32 s14  }
0x1cb: {  	v2 =	vld [tilespmem:s13+$0x40];
	[tilespmem:s13+$0x3470] =	vst v6  }
0x1cc: {  	[tilespmem:s13+$0x3400] =	vst v7;
	v4 =	vld [tilespmem:s13+$0x50]  }
0x1cd: {  	s14 =	sshra.s32 s22, $0x2;
	s22 =	sadd.s32 $0x200, s22;
	[tilespmem:s13+$0x3410] =	vst v8;
	v5 =	vld [tilespmem:s13+$0x60]  }
0x1ce: {  	v6 =	vld [tilespmem:s14+$0x70];
	[tilespmem:s13+$0x3420] =	vst v3  }
0x1cf: {  	v3 =	vld [tilespmem:s14+$0x0];
	[tilespmem:s13+$0x3430] =	vst v1  }
0x1d0: {  	v1 =	vld [tilespmem:s14+$0x10];
	[tilespmem:s13+$0x3440] =	vst v2  }
0x1d1: {  	v2 =	vld [tilespmem:s14+$0x20];
	[tilespmem:s13+$0x3450] =	vst v4  }
0x1d2: {  	v4 =	vld [tilespmem:s14+$0x30];
	[tilespmem:s13+$0x3460] =	vst v5  }
0x1d3: {  	v5 =	vld [tilespmem:s14+$0x40];
	[tilespmem:s14+$0x3470] =	vst v6  }
0x1d4: {  	[tilespmem:s14+$0x3400] =	vst v3;
	v3 =	vld [tilespmem:s14+$0x50]  }
0x1d5: {  	[tilespmem:s14+$0x3410] =	vst v1;
	v1 =	vld [tilespmem:s14+$0x60]  }
0x1d6: {  	[tilespmem:s14+$0x3420] =	vst v2  }
0x1d7: {  	[tilespmem:s14+$0x3430] =	vst v4  }
0x1d8: {  	[tilespmem:s14+$0x3440] =	vst v5  }
0x1d9: {  	[tilespmem:s14+$0x3450] =	vst v3  }
0x1da: {  	[tilespmem:s14+$0x3460] =	vst v1  }
0x1db: {  	[tilespmem:s2], [sflag:$0x4] =	stream.indirect.gather [spmem:s1], $0x1, s8, s7, $0xb8;
	[tilespmem:$0x1F4A8] =	vst v63  }
0x1dc: {  	_ =	swait.ge [sflag:s10], $0x3200  }
0x1dd: {  	[sflag:s10] =	ssyncset.done $0x0  }
0x1de: {  	s22 =	simm.s32 $0x0;
	[sflag:s10] =	ssyncadd.s32 $0xFFFFCE00  }
0x1df: {  	v2 =	vld [tilespmem:s22+$0x9A00]  }
0x1e0: {  	s13 =	simm.s32 $0x200;
	v1 =	vimm.f32 $0.0e+00;
	v3 =	vld [tilespmem:s22+$0x6600]  }
.LBB2_42:
0x1e1: {  	_ = 	snop  }
0x1e2: {  	p0 =	sne.s32 s13, $0xC600  }
.Ltmp20:
0x1e3: {  	_ = 	snop;
	(pc) =	sbr.rel @p0 .LBB2_42-.Ltmp20, $4  }
0x1e4: {  	_ = 	snop  }
0x1e5: {  	s14 =	sshra.s32 s13, $0x2;
	v4 =	vmul.f32 v3, v2  }
0x1e6: {  	v2 =	vld [tilespmem:s14+$0x9A00]  }
0x1e7: {  	s13 =	sadd.s32 $0x200, s13;
	v3 =	vld [tilespmem:s14+$0x6600];
	v1 =	vadd.f32 v4, v1  }
0x1e8: {  	_ =	sdelay $0x3  }
0x1e9: {  	v2 =	vmul.f32 v3, v2;
	_ =	sdelay $0x1  }
0x1ea: {  	v1 =	vadd.f32 v2, v1;
	_ =	sdelay $0x1  }
0x1eb: {  	v1 =	vadd.f32 v1, v0;
	_ =	sdelay $0x1  }
0x1ec: {  	s14 =	simm.s32 $0x10;
	[tilespmem:$0xFF00] =	vst v1  }
0x1ed: {  	v2 =	vld [tilespmem:s14+$0x9A00]  }
0x1ee: {  	s13 =	simm.s32 $0x240;
	v1 =	vimm.f32 $0.0e+00;
	v3 =	vld [tilespmem:s14+$0x6600]  }
.LBB2_44:
0x1ef: {  	_ = 	snop  }
0x1f0: {  	p0 =	sne.s32 s13, $0xC640  }
.Ltmp21:
0x1f1: {  	_ = 	snop;
	(pc) =	sbr.rel @p0 .LBB2_44-.Ltmp21, $4  }
0x1f2: {  	_ = 	snop  }
0x1f3: {  	s14 =	sshra.s32 s13, $0x2;
	v4 =	vmul.f32 v3, v2  }
0x1f4: {  	v2 =	vld [tilespmem:s14+$0x9A00]  }
0x1f5: {  	s13 =	sadd.s32 $0x200, s13;
	v3 =	vld [tilespmem:s14+$0x6600];
	v1 =	vadd.f32 v4, v1  }
0x1f6: {  	_ =	sdelay $0x3  }
0x1f7: {  	v2 =	vmul.f32 v3, v2;
	_ =	sdelay $0x1  }
0x1f8: {  	v1 =	vadd.f32 v2, v1;
	_ =	sdelay $0x1  }
0x1f9: {  	v1 =	vadd.f32 v1, v0;
	_ =	sdelay $0x1  }
0x1fa: {  	s14 =	simm.s32 $0x20;
	[tilespmem:$0xFF10] =	vst v1  }
0x1fb: {  	v2 =	vld [tilespmem:s14+$0x9A00]  }
0x1fc: {  	s13 =	simm.s32 $0x280;
	v1 =	vimm.f32 $0.0e+00;
	v3 =	vld [tilespmem:s14+$0x6600]  }
.LBB2_46:
0x1fd: {  	_ = 	snop  }
0x1fe: {  	p0 =	sne.s32 s13, $0xC680  }
.Ltmp22:
0x1ff: {  	_ = 	snop;
	(pc) =	sbr.rel @p0 .LBB2_46-.Ltmp22, $4  }
0x200: {  	_ = 	snop  }
0x201: {  	s14 =	sshra.s32 s13, $0x2;
	v4 =	vmul.f32 v3, v2  }
0x202: {  	v2 =	vld [tilespmem:s14+$0x9A00]  }
0x203: {  	s13 =	sadd.s32 $0x200, s13;
	v3 =	vld [tilespmem:s14+$0x6600];
	v1 =	vadd.f32 v4, v1  }
0x204: {  	_ =	sdelay $0x3  }
0x205: {  	v2 =	vmul.f32 v3, v2;
	_ =	sdelay $0x1  }
0x206: {  	v1 =	vadd.f32 v2, v1;
	_ =	sdelay $0x1  }
0x207: {  	v1 =	vadd.f32 v1, v0;
	_ =	sdelay $0x1  }
0x208: {  	s14 =	simm.s32 $0x30;
	[tilespmem:$0xFF20] =	vst v1  }
0x209: {  	v2 =	vld [tilespmem:s14+$0x9A00]  }
0x20a: {  	s13 =	simm.s32 $0x2C0;
	v1 =	vimm.f32 $0.0e+00;
	v3 =	vld [tilespmem:s14+$0x6600]  }
.LBB2_48:
0x20b: {  	_ = 	snop  }
0x20c: {  	p0 =	sne.s32 s13, $0xC6C0  }
.Ltmp23:
0x20d: {  	_ = 	snop;
	(pc) =	sbr.rel @p0 .LBB2_48-.Ltmp23, $4  }
0x20e: {  	_ = 	snop  }
0x20f: {  	s14 =	sshra.s32 s13, $0x2;
	v4 =	vmul.f32 v3, v2  }
0x210: {  	v2 =	vld [tilespmem:s14+$0x9A00]  }
0x211: {  	s13 =	sadd.s32 $0x200, s13;
	v3 =	vld [tilespmem:s14+$0x6600];
	v1 =	vadd.f32 v4, v1  }
0x212: {  	_ =	sdelay $0x3  }
0x213: {  	v2 =	vmul.f32 v3, v2;
	_ =	sdelay $0x1  }
0x214: {  	v1 =	vadd.f32 v2, v1;
	_ =	sdelay $0x1  }
0x215: {  	v1 =	vadd.f32 v1, v0;
	_ =	sdelay $0x1  }
0x216: {  	s14 =	simm.s32 $0x40;
	[tilespmem:$0xFF30] =	vst v1  }
0x217: {  	v2 =	vld [tilespmem:s14+$0x9A00]  }
0x218: {  	s13 =	simm.s32 $0x300;
	v1 =	vimm.f32 $0.0e+00;
	v3 =	vld [tilespmem:s14+$0x6600]  }
.LBB2_50:
0x219: {  	_ = 	snop  }
0x21a: {  	p0 =	sne.s32 s13, $0xC700  }
.Ltmp24:
0x21b: {  	_ = 	snop;
	(pc) =	sbr.rel @p0 .LBB2_50-.Ltmp24, $4  }
0x21c: {  	_ = 	snop  }
0x21d: {  	s14 =	sshra.s32 s13, $0x2;
	v4 =	vmul.f32 v3, v2  }
0x21e: {  	v2 =	vld [tilespmem:s14+$0x9A00]  }
0x21f: {  	s13 =	sadd.s32 $0x200, s13;
	v3 =	vld [tilespmem:s14+$0x6600];
	v1 =	vadd.f32 v4, v1  }
0x220: {  	_ =	sdelay $0x3  }
0x221: {  	v2 =	vmul.f32 v3, v2;
	_ =	sdelay $0x1  }
0x222: {  	v1 =	vadd.f32 v2, v1;
	_ =	sdelay $0x1  }
0x223: {  	v1 =	vadd.f32 v1, v0;
	_ =	sdelay $0x1  }
0x224: {  	s14 =	simm.s32 $0x50;
	[tilespmem:$0xFF40] =	vst v1  }
0x225: {  	v2 =	vld [tilespmem:s14+$0x9A00]  }
0x226: {  	s13 =	simm.s32 $0x340;
	v1 =	vimm.f32 $0.0e+00;
	v3 =	vld [tilespmem:s14+$0x6600]  }
.LBB2_52:
0x227: {  	_ = 	snop  }
0x228: {  	p0 =	sne.s32 s13, $0xC740  }
.Ltmp25:
0x229: {  	_ = 	snop;
	(pc) =	sbr.rel @p0 .LBB2_52-.Ltmp25, $4  }
0x22a: {  	_ = 	snop  }
0x22b: {  	s14 =	sshra.s32 s13, $0x2;
	v4 =	vmul.f32 v3, v2  }
0x22c: {  	v2 =	vld [tilespmem:s14+$0x9A00]  }
0x22d: {  	s13 =	sadd.s32 $0x200, s13;
	v3 =	vld [tilespmem:s14+$0x6600];
	v1 =	vadd.f32 v4, v1  }
0x22e: {  	_ =	sdelay $0x3  }
0x22f: {  	v2 =	vmul.f32 v3, v2;
	_ =	sdelay $0x1  }
0x230: {  	v1 =	vadd.f32 v2, v1;
	_ =	sdelay $0x1  }
0x231: {  	v1 =	vadd.f32 v1, v0;
	_ =	sdelay $0x1  }
0x232: {  	s14 =	simm.s32 $0x60;
	[tilespmem:$0xFF50] =	vst v1  }
0x233: {  	v2 =	vld [tilespmem:s14+$0x9A00]  }
0x234: {  	s13 =	simm.s32 $0x380;
	v1 =	vimm.f32 $0.0e+00;
	v3 =	vld [tilespmem:s14+$0x6600]  }
.LBB2_54:
0x235: {  	_ = 	snop  }
0x236: {  	p0 =	sne.s32 s13, $0xC780  }
.Ltmp26:
0x237: {  	_ = 	snop;
	(pc) =	sbr.rel @p0 .LBB2_54-.Ltmp26, $4  }
0x238: {  	_ = 	snop  }
0x239: {  	s14 =	sshra.s32 s13, $0x2;
	v4 =	vmul.f32 v3, v2  }
0x23a: {  	v2 =	vld [tilespmem:s14+$0x9A00]  }
0x23b: {  	s13 =	sadd.s32 $0x200, s13;
	v3 =	vld [tilespmem:s14+$0x6600];
	v1 =	vadd.f32 v4, v1  }
0x23c: {  	_ =	sdelay $0x3  }
0x23d: {  	v2 =	vmul.f32 v3, v2;
	_ =	sdelay $0x1  }
0x23e: {  	v1 =	vadd.f32 v2, v1;
	_ =	sdelay $0x1  }
0x23f: {  	v1 =	vadd.f32 v1, v0;
	_ =	sdelay $0x1  }
0x240: {  	s14 =	simm.s32 $0x70;
	[tilespmem:$0xFF60] =	vst v1  }
0x241: {  	v2 =	vld [tilespmem:s14+$0x9A00]  }
0x242: {  	s13 =	simm.s32 $0x3C0;
	v1 =	vimm.f32 $0.0e+00;
	v3 =	vld [tilespmem:s14+$0x6600]  }
.LBB2_56:
0x243: {  	_ = 	snop  }
0x244: {  	p0 =	sne.s32 s13, $0xC7C0  }
.Ltmp27:
0x245: {  	_ = 	snop;
	(pc) =	sbr.rel @p0 .LBB2_56-.Ltmp27, $4  }
0x246: {  	_ = 	snop  }
0x247: {  	s14 =	sshra.s32 s13, $0x2;
	v4 =	vmul.f32 v3, v2  }
0x248: {  	v2 =	vld [tilespmem:s14+$0x9A00]  }
0x249: {  	s13 =	sadd.s32 $0x200, s13;
	v3 =	vld [tilespmem:s14+$0x6600];
	v1 =	vadd.f32 v4, v1  }
0x24a: {  	_ =	sdelay $0x3  }
0x24b: {  	v2 =	vmul.f32 v3, v2;
	_ =	sdelay $0x1  }
0x24c: {  	v1 =	vadd.f32 v2, v1;
	_ =	sdelay $0x1  }
0x24d: {  	v1 =	vadd.f32 v1, v0;
	_ =	sdelay $0x1  }
0x24e: {  	[tilespmem:$0xFF70] =	vst v1  }
0x24f: {  	[tilespmem:s25], [sflag:$0x2] =	stream.strided.gather [hbm4b:s20+s29], $0x3000, s30, s29, $0x38;
	[tilespmem:$0x1F4A8] =	vst v63  }
0x250: {  	s13 =	sadd.s32 $0x30000, s20;
	s14 =	simm.s32 $0x0  }
0x251: {  	[tilespmem:s4], [sflag:$0x2] =	stream.linear.gather [hbm4b:s13+s14], $0x200, $0x38;
	[tilespmem:$0x1F4A8] =	vst v63  }
0x252: {  	_ =	swait.ge [sflag:s11], $0x3200  }
0x253: {  	[sflag:s11] =	ssyncset.done $0x0  }
0x254: {  	[sflag:s11] =	ssyncadd.s32 $0xFFFFCE00  }
0x255: {  	_ =	swait.ge [sflag:s10], $0x3200  }
0x256: {  	[sflag:s10] =	ssyncset.done $0x0  }
0x257: {  	s22 =	simm.s32 $0x0;
	[sflag:s10] =	ssyncadd.s32 $0xFFFFCE00  }
0x258: {  	v2 =	vld [tilespmem:s22+$0xCC00]  }
0x259: {  	v1 =	vimm.f32 $0.0e+00;
	s13 =	simm.s32 $0x200;
	v3 =	vld [tilespmem:s22+$0x6600]  }
.LBB2_58:
0x25a: {  	_ = 	snop  }
0x25b: {  	p0 =	sne.s32 s13, $0xC600  }
.Ltmp28:
0x25c: {  	_ = 	snop;
	(pc) =	sbr.rel @p0 .LBB2_58-.Ltmp28, $4  }
0x25d: {  	_ = 	snop  }
0x25e: {  	s14 =	sshra.s32 s13, $0x2;
	v4 =	vmul.f32 v3, v2  }
0x25f: {  	v2 =	vld [tilespmem:s14+$0xCC00]  }
0x260: {  	s13 =	sadd.s32 $0x200, s13;
	v3 =	vld [tilespmem:s14+$0x6600];
	v1 =	vadd.f32 v4, v1  }
0x261: {  	_ =	sdelay $0x3  }
0x262: {  	v2 =	vmul.f32 v3, v2;
	_ =	sdelay $0x1  }
0x263: {  	v1 =	vadd.f32 v2, v1;
	_ =	sdelay $0x1  }
0x264: {  	v1 =	vadd.f32 v1, v0;
	_ =	sdelay $0x1  }
0x265: {  	s14 =	simm.s32 $0x10;
	[tilespmem:$0xFF80] =	vst v1  }
0x266: {  	v2 =	vld [tilespmem:s14+$0xCC00]  }
0x267: {  	s13 =	simm.s32 $0x240;
	v1 =	vimm.f32 $0.0e+00;
	v3 =	vld [tilespmem:s14+$0x6600]  }
.LBB2_60:
0x268: {  	_ = 	snop  }
0x269: {  	p0 =	sne.s32 s13, $0xC640  }
.Ltmp29:
0x26a: {  	_ = 	snop;
	(pc) =	sbr.rel @p0 .LBB2_60-.Ltmp29, $4  }
0x26b: {  	_ = 	snop  }
0x26c: {  	s14 =	sshra.s32 s13, $0x2;
	v4 =	vmul.f32 v3, v2  }
0x26d: {  	v2 =	vld [tilespmem:s14+$0xCC00]  }
0x26e: {  	s13 =	sadd.s32 $0x200, s13;
	v3 =	vld [tilespmem:s14+$0x6600];
	v1 =	vadd.f32 v4, v1  }
0x26f: {  	_ =	sdelay $0x3  }
0x270: {  	v2 =	vmul.f32 v3, v2;
	_ =	sdelay $0x1  }
0x271: {  	v1 =	vadd.f32 v2, v1;
	_ =	sdelay $0x1  }
0x272: {  	v1 =	vadd.f32 v1, v0;
	_ =	sdelay $0x1  }
0x273: {  	s14 =	simm.s32 $0x20;
	[tilespmem:$0xFF90] =	vst v1  }
0x274: {  	v2 =	vld [tilespmem:s14+$0xCC00]  }
0x275: {  	s13 =	simm.s32 $0x280;
	v1 =	vimm.f32 $0.0e+00;
	v3 =	vld [tilespmem:s14+$0x6600]  }
.LBB2_62:
0x276: {  	_ = 	snop  }
0x277: {  	p0 =	sne.s32 s13, $0xC680  }
.Ltmp30:
0x278: {  	_ = 	snop;
	(pc) =	sbr.rel @p0 .LBB2_62-.Ltmp30, $4  }
0x279: {  	_ = 	snop  }
0x27a: {  	s14 =	sshra.s32 s13, $0x2;
	v4 =	vmul.f32 v3, v2  }
0x27b: {  	v2 =	vld [tilespmem:s14+$0xCC00]  }
0x27c: {  	s13 =	sadd.s32 $0x200, s13;
	v3 =	vld [tilespmem:s14+$0x6600];
	v1 =	vadd.f32 v4, v1  }
0x27d: {  	_ =	sdelay $0x3  }
0x27e: {  	v2 =	vmul.f32 v3, v2;
	_ =	sdelay $0x1  }
0x27f: {  	v1 =	vadd.f32 v2, v1;
	_ =	sdelay $0x1  }
0x280: {  	v1 =	vadd.f32 v1, v0;
	_ =	sdelay $0x1  }
0x281: {  	s14 =	simm.s32 $0x30;
	[tilespmem:$0xFFA0] =	vst v1  }
0x282: {  	v2 =	vld [tilespmem:s14+$0xCC00]  }
0x283: {  	s13 =	simm.s32 $0x2C0;
	v1 =	vimm.f32 $0.0e+00;
	v3 =	vld [tilespmem:s14+$0x6600]  }
.LBB2_64:
0x284: {  	_ = 	snop  }
0x285: {  	p0 =	sne.s32 s13, $0xC6C0  }
.Ltmp31:
0x286: {  	_ = 	snop;
	(pc) =	sbr.rel @p0 .LBB2_64-.Ltmp31, $4  }
0x287: {  	_ = 	snop  }
0x288: {  	s14 =	sshra.s32 s13, $0x2;
	v4 =	vmul.f32 v3, v2  }
0x289: {  	v2 =	vld [tilespmem:s14+$0xCC00]  }
0x28a: {  	s13 =	sadd.s32 $0x200, s13;
	v3 =	vld [tilespmem:s14+$0x6600];
	v1 =	vadd.f32 v4, v1  }
0x28b: {  	_ =	sdelay $0x3  }
0x28c: {  	v2 =	vmul.f32 v3, v2;
	_ =	sdelay $0x1  }
0x28d: {  	v1 =	vadd.f32 v2, v1;
	_ =	sdelay $0x1  }
0x28e: {  	v1 =	vadd.f32 v1, v0;
	_ =	sdelay $0x1  }
0x28f: {  	s14 =	simm.s32 $0x40;
	[tilespmem:$0xFFB0] =	vst v1  }
0x290: {  	v2 =	vld [tilespmem:s14+$0xCC00]  }
0x291: {  	s13 =	simm.s32 $0x300;
	v1 =	vimm.f32 $0.0e+00;
	v3 =	vld [tilespmem:s14+$0x6600]  }
.LBB2_66:
0x292: {  	_ = 	snop  }
0x293: {  	p0 =	sne.s32 s13, $0xC700  }
.Ltmp32:
0x294: {  	_ = 	snop;
	(pc) =	sbr.rel @p0 .LBB2_66-.Ltmp32, $4  }
0x295: {  	_ = 	snop  }
0x296: {  	s14 =	sshra.s32 s13, $0x2;
	v4 =	vmul.f32 v3, v2  }
0x297: {  	v2 =	vld [tilespmem:s14+$0xCC00]  }
0x298: {  	s13 =	sadd.s32 $0x200, s13;
	v3 =	vld [tilespmem:s14+$0x6600];
	v1 =	vadd.f32 v4, v1  }
0x299: {  	_ =	sdelay $0x3  }
0x29a: {  	v2 =	vmul.f32 v3, v2;
	_ =	sdelay $0x1  }
0x29b: {  	v1 =	vadd.f32 v2, v1;
	_ =	sdelay $0x1  }
0x29c: {  	v1 =	vadd.f32 v1, v0;
	_ =	sdelay $0x1  }
0x29d: {  	s14 =	simm.s32 $0x50;
	[tilespmem:$0xFFC0] =	vst v1  }
0x29e: {  	v2 =	vld [tilespmem:s14+$0xCC00]  }
0x29f: {  	s13 =	simm.s32 $0x340;
	v1 =	vimm.f32 $0.0e+00;
	v3 =	vld [tilespmem:s14+$0x6600]  }
.LBB2_68:
0x2a0: {  	_ = 	snop  }
0x2a1: {  	p0 =	sne.s32 s13, $0xC740  }
.Ltmp33:
0x2a2: {  	_ = 	snop;
	(pc) =	sbr.rel @p0 .LBB2_68-.Ltmp33, $4  }
0x2a3: {  	_ = 	snop  }
0x2a4: {  	s14 =	sshra.s32 s13, $0x2;
	v4 =	vmul.f32 v3, v2  }
0x2a5: {  	v2 =	vld [tilespmem:s14+$0xCC00]  }
0x2a6: {  	s13 =	sadd.s32 $0x200, s13;
	v3 =	vld [tilespmem:s14+$0x6600];
	v1 =	vadd.f32 v4, v1  }
0x2a7: {  	_ =	sdelay $0x3  }
0x2a8: {  	v2 =	vmul.f32 v3, v2;
	_ =	sdelay $0x1  }
0x2a9: {  	v1 =	vadd.f32 v2, v1;
	_ =	sdelay $0x1  }
0x2aa: {  	v1 =	vadd.f32 v1, v0;
	_ =	sdelay $0x1  }
0x2ab: {  	s14 =	simm.s32 $0x60;
	[tilespmem:$0xFFD0] =	vst v1  }
0x2ac: {  	v2 =	vld [tilespmem:s14+$0xCC00]  }
0x2ad: {  	s13 =	simm.s32 $0x380;
	v1 =	vimm.f32 $0.0e+00;
	v3 =	vld [tilespmem:s14+$0x6600]  }
.LBB2_70:
0x2ae: {  	_ = 	snop  }
0x2af: {  	p0 =	sne.s32 s13, $0xC780  }
.Ltmp34:
0x2b0: {  	_ = 	snop;
	(pc) =	sbr.rel @p0 .LBB2_70-.Ltmp34, $4  }
0x2b1: {  	_ = 	snop  }
0x2b2: {  	s14 =	sshra.s32 s13, $0x2;
	v4 =	vmul.f32 v3, v2  }
0x2b3: {  	v2 =	vld [tilespmem:s14+$0xCC00]  }
0x2b4: {  	s13 =	sadd.s32 $0x200, s13;
	v3 =	vld [tilespmem:s14+$0x6600];
	v1 =	vadd.f32 v4, v1  }
0x2b5: {  	_ =	sdelay $0x3  }
0x2b6: {  	v2 =	vmul.f32 v3, v2;
	_ =	sdelay $0x1  }
0x2b7: {  	v1 =	vadd.f32 v2, v1;
	_ =	sdelay $0x1  }
0x2b8: {  	v1 =	vadd.f32 v1, v0;
	_ =	sdelay $0x1  }
0x2b9: {  	s14 =	simm.s32 $0x70;
	[tilespmem:$0xFFE0] =	vst v1  }
0x2ba: {  	v2 =	vld [tilespmem:s14+$0xCC00]  }
0x2bb: {  	s13 =	simm.s32 $0x3C0;
	v1 =	vimm.f32 $0.0e+00;
	v3 =	vld [tilespmem:s14+$0x6600]  }
.LBB2_72:
0x2bc: {  	_ = 	snop  }
0x2bd: {  	p0 =	sne.s32 s13, $0xC7C0  }
.Ltmp35:
0x2be: {  	_ = 	snop;
	(pc) =	sbr.rel @p0 .LBB2_72-.Ltmp35, $4  }
0x2bf: {  	_ = 	snop  }
0x2c0: {  	s14 =	sshra.s32 s13, $0x2;
	v4 =	vmul.f32 v3, v2  }
0x2c1: {  	v2 =	vld [tilespmem:s14+$0xCC00]  }
0x2c2: {  	s13 =	sadd.s32 $0x200, s13;
	v3 =	vld [tilespmem:s14+$0x6600];
	v1 =	vadd.f32 v4, v1  }
0x2c3: {  	_ =	sdelay $0x3  }
0x2c4: {  	v2 =	vmul.f32 v3, v2;
	_ =	sdelay $0x1  }
0x2c5: {  	v1 =	vadd.f32 v2, v1;
	_ =	sdelay $0x1  }
0x2c6: {  	s12 =	sadd.s32 $0x1, s12;
	v0 =	vadd.f32 v1, v0  }
0x2c7: {  	p0 =	sne.s32 s12, s24  }
.Ltmp36:
0x2c8: {  	s13 =	simm.s32 $0xFE00;
	[tilespmem:$0xFFF0] =	vst v0;
	(pc) =	sbr.rel @p0 .LBB2_1-.Ltmp36, $4  }
0x2c9: {  	[hbm4b:s23+s3] =	stream.linear.scatter [tilespmem:s13], [sflag:$0x6], $0x200, $0x38;
	[tilespmem:$0x1F4A8] =	vst v63  }
0x2ca: {  	_ =	swait.ge [sflag:s26], $0x200  }
0x2cb: {  	[sflag:s26] =	ssyncset.done $0x0  }
0x2cc: {  	[sflag:s26] =	ssyncadd.s32 $0xFFFFFE00  }
0x2cd: {  	_ =	sfence.sel $0x180000  }
0x2ce: {  	[bflag:$0x0] =	sbarrier.arrive $0xFFFF  }
0x2cf: {  	_ =	strace $0x90000047  }
0x2d0: {  	s0 =	stileid.u32;
	[bflag:$0x2] =	sbarrier.arrive $0xFFFF  }
0x2d1: {  	p0 =	sne.s32 s0, $0x0;
	s0 =	rddreg [dreg:$0x5]  }
0x2d2: {  	s0 =	sadd.s32 @!p0 $0x100000, s0  }
0x2d3: {  	[sflag:s0] =	ssyncadd.tile.s32 @!p0 $0x1;
	_ =	shalt  }
.Lfunc_end2:
_tile_overlayer_lowered:
.L_overlay_start_2:
0x2d4: {  	(tag) =	ssettag $0x2  }
0x2d5: {  	s0 =	rddreg [dreg:$0x0];
	s2 =	stileid.u32  }
0x2d6: {  	s1 =	rddreg [dreg:$0x1];
	p0 =	sne.s32 s2, $0x0  }
0x2d7: {  	s3 =	rddreg [dreg:$0x2];
	[bflag:$0x3] =	sbarrier.arrive $0xFFFF;
	s2 =	simm.s32 @!p0 $0x1C06  }
0x2d8: {  	[timem:s3], [sflag:s2] =	dma.local @!p0 [hbm:s0], s1  }
0x2d9: {  	s0 =	simm.s32 @!p0 $0x6  }
0x2da: {  	_ =	swait.ge @!p0 [sflag:s0], s1  }
0x2db: {  	s1 =	ssub.s32 @!p0 $0x0, s1;
	[sflag:s0] =	ssyncset.done @!p0 $0x0  }
0x2dc: {  	[sflag:s0] =	ssyncadd.s32 @!p0 s1  }
0x2dd: {  	[bflag:$0x3] =	sbarrier.arrive $0xFFFF  }
0x2de: {  	_ =	shalt  }

</sc_bundles>
